<compile_context>
chip_gen: v7x
topology: tpu7x:2x2x1
jax: 0.10.2.dev20260603
libtpu: 0.0.44.dev20260713+nightly
codegen_flags: <defaults>
</compile_context>

<pallas_src>
import functools

import jax
import jax.numpy as jnp
from jax import lax
from jax.experimental import pallas as pl
from jax.experimental.pallas import tpu as pltpu
from jax.experimental.pallas import tpu_sc as plsc

B = 16384
N_FIELDS = 26
VOCAB = 100000
HIDDEN = 64

_NC = 2
_NS = 16
_NW = _NC * _NS

_ROWS_PER_W = B // _NW
_CB = 16
_IDX_PER_CHUNK = _CB * N_FIELDS
_NCHUNKS = _ROWS_PER_W // _CB
_INV = 1.0 / N_FIELDS


def _body(tab_hbm, idx_hbm, out_hbm, idx_v, buf0, buf1, out_v, sem0, sem1):
    wid = lax.axis_index("s") * _NC + lax.axis_index("c")
    base = wid * _ROWS_PER_W

    pltpu.sync_copy(idx_hbm.at[pl.ds(base * N_FIELDS, _ROWS_PER_W * N_FIELDS)],
                    idx_v)

    def _fire(chunk, buf, sem):
        pltpu.async_copy(
            tab_hbm.at[idx_v.at[pl.ds(chunk * _IDX_PER_CHUNK, _IDX_PER_CHUNK)]],
            buf, sem)

    def _drain(chunk, buf, sem):
        pltpu.make_async_copy(
            tab_hbm.at[idx_v.at[pl.ds(chunk * _IDX_PER_CHUNK, _IDX_PER_CHUNK)]],
            buf, sem).wait()

    def _reduce(chunk, buf):
        def row_step(r, carry):
            row = chunk * _CB + r
            accs = [None] * (HIDDEN // 16)
            for f in range(N_FIELDS):
                gl = r * N_FIELDS + f
                for c in range(HIDDEN // 16):
                    val = buf[gl, pl.ds(c * 16, 16)]
                    accs[c] = val if f == 0 else accs[c] + val
            for c in range(HIDDEN // 16):
                out_v[row, pl.ds(c * 16, 16)] = accs[c] * _INV
            return carry

        lax.fori_loop(0, _CB, row_step, 0)

    _fire(0, buf0, sem0)
    _fire(1, buf1, sem1)

    def step(g, carry):
        c0 = 2 * g
        c1 = 2 * g + 1
        _drain(c0, buf0, sem0)
        _reduce(c0, buf0)

        @pl.when(g < _NCHUNKS // 2 - 1)
        def _():
            _fire(c0 + 2, buf0, sem0)

        _drain(c1, buf1, sem1)
        _reduce(c1, buf1)

        @pl.when(g < _NCHUNKS // 2 - 1)
        def _():
            _fire(c1 + 2, buf1, sem1)

        return carry

    lax.fori_loop(0, _NCHUNKS // 2, step, 0)

    pltpu.sync_copy(out_v, out_hbm.at[pl.ds(base, _ROWS_PER_W)])


@jax.jit
def _run(tab_flat, idx_flat):
    mesh = plsc.VectorSubcoreMesh(core_axis_name="c", subcore_axis_name="s")
    return pl.kernel(
        _body,
        mesh=mesh,
        out_type=jax.ShapeDtypeStruct((B, HIDDEN), jnp.float32),
        scratch_types=[
            pltpu.VMEM((_ROWS_PER_W * N_FIELDS,), jnp.int32),
            pltpu.VMEM((_IDX_PER_CHUNK, HIDDEN), jnp.float32),
            pltpu.VMEM((_IDX_PER_CHUNK, HIDDEN), jnp.float32),
            pltpu.VMEM((_ROWS_PER_W, HIDDEN), jnp.float32),
            pltpu.SemaphoreType.DMA,
            pltpu.SemaphoreType.DMA,
        ],
        compiler_params=pltpu.CompilerParams(use_tc_tiling_on_sc=False),
    )(tab_flat, idx_flat)


def kernel(x, tables):
    idx_flat = (x.astype(jnp.int32)
                + (jnp.arange(N_FIELDS, dtype=jnp.int32) * VOCAB)[None, :]
                ).reshape(-1)
    tab_flat = tables.reshape(N_FIELDS * VOCAB, HIDDEN)
    return _run(tab_flat, idx_flat)

# --- scband reference (transcript-rebuilt; emitter-appended) ---
"""Pipeline reference for scband-multi-index-embedding-31018253812173 (READ-ONLY COPY).

The authoritative reference and input builder live on the scoring server;
editing this copy changes nothing except your own understanding.
"""

import jax, jax.numpy as jnp
import numpy as np

B = 16384
N_FIELDS = 26
VOCAB = 100000
HIDDEN = 64

def setup_inputs(seed: int = 0) -> dict:
    key = jax.random.key(seed)
    k_idx, k_tab = jax.random.split(key)
    x = jax.random.randint(k_idx, (B, N_FIELDS), 0, VOCAB, dtype=jnp.int64) if jax.config.jax_enable_x64 else jax.random.randint(k_idx, (B, N_FIELDS), 0, VOCAB, dtype=jnp.int32)
    # stacked embedding tables: one table of shape [VOCAB, HIDDEN] per field
    tables = jax.random.normal(k_tab, (N_FIELDS, VOCAB, HIDDEN), dtype=jnp.float32) * 0.02
    return {"x": x, "tables": tables}

def reference(x, tables):
    # Faithful to MultiIndexEmbedding.forward:
    # out = zeros(B, hidden); for i: out += embeddings[i](x[:, i]); out /= n_fields
    field_ids = jnp.arange(N_FIELDS)[None, :]  # [1, N_FIELDS]
    # gather: for each (b, i) -> tables[i, x[b, i]]  => [B, N_FIELDS, HIDDEN]
    gathered = tables[field_ids, x]
    out = jnp.sum(gathered, axis=1) / N_FIELDS
    return out

if __name__ == "__main__":
    import jax
    _d = setup_inputs()
    print(jax.jit(kernel)(*tuple(_d.values())))

</pallas_src>

<mosaic_0001>
#map = affine_map<(d0, d1) -> (0, 0)>
#map1 = affine_map<(d0, d1) -> (0)>
module attributes {stable_mosaic.version = 14 : i64} {
  func.func @_body(%arg0: i32, %arg1: i32, %arg2: memref<2600000x64xf32, #tpu.memory_space<hbm>>, %arg3: memref<425984xi32, #tpu.memory_space<hbm>>, %arg4: memref<16384x64xf32, #tpu.memory_space<hbm>>, %arg5: memref<13312xi32, #tpu.memory_space<vmem>>, %arg6: memref<416x64xf32, #tpu.memory_space<vmem>>, %arg7: memref<416x64xf32, #tpu.memory_space<vmem>>, %arg8: memref<512x64xf32, #tpu.memory_space<vmem>>, %arg9: memref<!tpu.dma_semaphore, #tpu.memory_space<semaphore_mem>>, %arg10: memref<!tpu.dma_semaphore, #tpu.memory_space<semaphore_mem>>) attributes {dimension_semantics = [#tpu.dimension_semantics<core_parallel>, #tpu.dimension_semantics<subcore_parallel>], iteration_bounds = array<i64: 2, 16>, scalar_prefetch = 0 : i64, scratch_operands = 6 : i64, tpu.core_type = #tpu.core_type<sc_vector_subcore>, window_params = [{transform_indices = #map}, {transform_indices = #map1}, {transform_indices = #map}]} {
    %mul3A = arith.constant 2 : i32
    %mul3A_0 = arith.muli %arg1, %mul3A : i32
    %add3A = arith.addi %mul3A_0, %arg0 : i32
    %mul3A_1 = arith.constant 512 : i32
    %mul3A_2 = arith.muli %add3A, %mul3A_1 : i32
    %mul3A_3 = arith.constant 26 : i32
    %mul3A_4 = arith.muli %mul3A_2, %mul3A_3 : i32
    "tpu.region"() ({
      %run_scoped3A = tpu.sem_alloc : memref<!tpu.dma_semaphore, #tpu.memory_space<semaphore_mem>>
      %dma_start3A_19 = tpu.memref_slice %arg3[%mul3A_4] : memref<425984xi32, #tpu.memory_space<hbm>> -> memref<13312xi32, #tpu.memory_space<hbm>>
      %dma_start3A_20 = tpu.memref_slice %arg3[%mul3A_4] : memref<425984xi32, #tpu.memory_space<hbm>> -> memref<13312xi32, #tpu.memory_space<hbm>>
      tpu.enqueue_dma source(%dma_start3A_20 : memref<13312xi32, #tpu.memory_space<hbm>>) target(%arg5 : memref<13312xi32, #tpu.memory_space<vmem>>) target_semaphore(%run_scoped3A : memref<!tpu.dma_semaphore, #tpu.memory_space<semaphore_mem>>)
      %dma_wait3A = tpu.memref_slice %arg3[%mul3A_4] : memref<425984xi32, #tpu.memory_space<hbm>> -> memref<13312xi32, #tpu.memory_space<hbm>>
      %dma_wait3A_21 = tpu.memref_slice %arg3[%mul3A_4] : memref<425984xi32, #tpu.memory_space<hbm>> -> memref<13312xi32, #tpu.memory_space<hbm>>
      tpu.wait_dma2 semaphore(%run_scoped3A : memref<!tpu.dma_semaphore, #tpu.memory_space<semaphore_mem>>) src(%dma_wait3A_21 : memref<13312xi32, #tpu.memory_space<hbm>>) dst(%arg5 : memref<13312xi32, #tpu.memory_space<vmem>>)
      tpu.yield
    }) : () -> ()
    %dma_start3A = arith.constant 0 : i32
    %dma_start3A_5 = tpu.memref_slice %arg5[%dma_start3A] : memref<13312xi32, #tpu.memory_space<vmem>> -> memref<416xi32, #tpu.memory_space<vmem>>
    %dma_start3A_6 = arith.constant 0 : i32
    %dma_start3A_7 = arith.constant 0 : i32
    %dma_start3A_8 = tpu.memref_slice %arg2[%dma_start3A_6, %dma_start3A_7] : memref<2600000x64xf32, #tpu.memory_space<hbm>> -> memref<2600000x64xf32, #tpu.memory_space<hbm>>
    tpu.enqueue_indirect_dma source(%dma_start3A_8 : memref<2600000x64xf32, #tpu.memory_space<hbm>>) target(%arg6 : memref<416x64xf32, #tpu.memory_space<vmem>>) offsets(%dma_start3A_5 : memref<416xi32, #tpu.memory_space<vmem>>) semaphore(%arg9 : memref<!tpu.dma_semaphore, #tpu.memory_space<semaphore_mem>>)
    %dma_start3A_9 = arith.constant 416 : i32
    %dma_start3A_10 = tpu.memref_slice %arg5[%dma_start3A_9] : memref<13312xi32, #tpu.memory_space<vmem>> -> memref<416xi32, #tpu.memory_space<vmem>>
    %dma_start3A_11 = arith.constant 0 : i32
    %dma_start3A_12 = arith.constant 0 : i32
    %dma_start3A_13 = tpu.memref_slice %arg2[%dma_start3A_11, %dma_start3A_12] : memref<2600000x64xf32, #tpu.memory_space<hbm>> -> memref<2600000x64xf32, #tpu.memory_space<hbm>>
    tpu.enqueue_indirect_dma source(%dma_start3A_13 : memref<2600000x64xf32, #tpu.memory_space<hbm>>) target(%arg7 : memref<416x64xf32, #tpu.memory_space<vmem>>) offsets(%dma_start3A_10 : memref<416xi32, #tpu.memory_space<vmem>>) semaphore(%arg10 : memref<!tpu.dma_semaphore, #tpu.memory_space<semaphore_mem>>)
    %scan3A = arith.constant 0 : i32
    %scan3A_14 = arith.constant 0 : i32
    %scan3A_15 = arith.constant 16 : i32
    %scan3A_16 = arith.addi %scan3A_14, %scan3A_15 : i32
    %scan3A_17 = arith.constant 1 : i32
    scf.for %scan3A_19 = %scan3A_14 to %scan3A_16 step %scan3A_17  : i32 {
      %mul3A_20 = arith.constant 2 : i32
      %mul3A_21 = arith.muli %mul3A_20, %scan3A_19 : i32
      %mul3A_22 = arith.constant 2 : i32
      %mul3A_23 = arith.muli %mul3A_22, %scan3A_19 : i32
      %add3A_24 = arith.constant 1 : i32
      %add3A_25 = arith.addi %mul3A_23, %add3A_24 : i32
      %mul3A_26 = arith.constant 416 : i32
      %mul3A_27 = arith.muli %mul3A_21, %mul3A_26 : i32
      %dma_wait3A = tpu.memref_slice %arg5[%mul3A_27] : memref<13312xi32, #tpu.memory_space<vmem>> -> memref<416xi32, #tpu.memory_space<vmem>>
      %dma_wait3A_28 = arith.constant 0 : i32
      %dma_wait3A_29 = arith.constant 0 : i32
      %dma_wait3A_30 = tpu.memref_slice %arg2[%dma_wait3A_28, %dma_wait3A_29] : memref<2600000x64xf32, #tpu.memory_space<hbm>> -> memref<2600000x64xf32, #tpu.memory_space<hbm>>
      tpu.wait_indirect_dma semaphore(%arg9 : memref<!tpu.dma_semaphore, #tpu.memory_space<semaphore_mem>>) src(%dma_wait3A_30 : memref<2600000x64xf32, #tpu.memory_space<hbm>>) dst(%arg6 : memref<416x64xf32, #tpu.memory_space<vmem>>)
      %scan3A_31 = arith.constant 0 : i32
      %scan3A_32 = arith.constant 0 : i32
      %scan3A_33 = arith.constant 16 : i32
      %scan3A_34 = arith.addi %scan3A_32, %scan3A_33 : i32
      %scan3A_35 = arith.constant 1 : i32
      scf.for %scan3A_56 = %scan3A_32 to %scan3A_34 step %scan3A_35  : i32 {
        %mul3A_57 = arith.constant 16 : i32
        %mul3A_58 = arith.muli %mul3A_21, %mul3A_57 : i32
        %add3A_59 = arith.addi %mul3A_58, %scan3A_56 : i32
        %mul3A_60 = arith.constant 26 : i32
        %mul3A_61 = arith.muli %scan3A_56, %mul3A_60 : i32
        %add3A_62 = arith.constant 0 : i32
        %add3A_63 = arith.addi %mul3A_61, %add3A_62 : i32
        %get3A = arith.index_cast %add3A_63 : i32 to index
        %get3A_64 = arith.constant 0 : index
        %get3A_65 = tpu.vector_load %arg6[%get3A, %get3A_64] {strides = array<i32>} : memref<416x64xf32, #tpu.memory_space<vmem>>, vector<1x16xf32>,
        %get3A_66 = vector.shape_cast %get3A_65 : vector<1x16xf32> to vector<16xf32>
        %get3A_67 = arith.index_cast %add3A_63 : i32 to index
        %get3A_68 = arith.constant 16 : index
        %get3A_69 = tpu.vector_load %arg6[%get3A_67, %get3A_68] {strides = array<i32>} : memref<416x64xf32, #tpu.memory_space<vmem>>, vector<1x16xf32>,
        %get3A_70 = vector.shape_cast %get3A_69 : vector<1x16xf32> to vector<16xf32>
        %get3A_71 = arith.index_cast %add3A_63 : i32 to index
        %get3A_72 = arith.constant 32 : index
        %get3A_73 = tpu.vector_load %arg6[%get3A_71, %get3A_72] {strides = array<i32>} : memref<416x64xf32, #tpu.memory_space<vmem>>, vector<1x16xf32>,
        %get3A_74 = vector.shape_cast %get3A_73 : vector<1x16xf32> to vector<16xf32>
        %get3A_75 = arith.index_cast %add3A_63 : i32 to index
        %get3A_76 = arith.constant 48 : index
        %get3A_77 = tpu.vector_load %arg6[%get3A_75, %get3A_76] {strides = array<i32>} : memref<416x64xf32, #tpu.memory_space<vmem>>, vector<1x16xf32>,
        %get3A_78 = vector.shape_cast %get3A_77 : vector<1x16xf32> to vector<16xf32>
        %mul3A_79 = arith.constant 26 : i32
        %mul3A_80 = arith.muli %scan3A_56, %mul3A_79 : i32
        %add3A_81 = arith.constant 1 : i32
        %add3A_82 = arith.addi %mul3A_80, %add3A_81 : i32
        %get3A_83 = arith.index_cast %add3A_82 : i32 to index
        %get3A_84 = arith.constant 0 : index
        %get3A_85 = tpu.vector_load %arg6[%get3A_83, %get3A_84] {strides = array<i32>} : memref<416x64xf32, #tpu.memory_space<vmem>>, vector<1x16xf32>,
        %get3A_86 = vector.shape_cast %get3A_85 : vector<1x16xf32> to vector<16xf32>
        %add3A_87 = arith.addf %get3A_66, %get3A_86 : vector<16xf32>
        %get3A_88 = arith.index_cast %add3A_82 : i32 to index
        %get3A_89 = arith.constant 16 : index
        %get3A_90 = tpu.vector_load %arg6[%get3A_88, %get3A_89] {strides = array<i32>} : memref<416x64xf32, #tpu.memory_space<vmem>>, vector<1x16xf32>,
        %get3A_91 = vector.shape_cast %get3A_90 : vector<1x16xf32> to vector<16xf32>
        %add3A_92 = arith.addf %get3A_70, %get3A_91 : vector<16xf32>
        %get3A_93 = arith.index_cast %add3A_82 : i32 to index
        %get3A_94 = arith.constant 32 : index
        %get3A_95 = tpu.vector_load %arg6[%get3A_93, %get3A_94] {strides = array<i32>} : memref<416x64xf32, #tpu.memory_space<vmem>>, vector<1x16xf32>,
        %get3A_96 = vector.shape_cast %get3A_95 : vector<1x16xf32> to vector<16xf32>
        %add3A_97 = arith.addf %get3A_74, %get3A_96 : vector<16xf32>
        %get3A_98 = arith.index_cast %add3A_82 : i32 to index
        %get3A_99 = arith.constant 48 : index
        %get3A_100 = tpu.vector_load %arg6[%get3A_98, %get3A_99] {strides = array<i32>} : memref<416x64xf32, #tpu.memory_space<vmem>>, vector<1x16xf32>,
        %get3A_101 = vector.shape_cast %get3A_100 : vector<1x16xf32> to vector<16xf32>
        %add3A_102 = arith.addf %get3A_78, %get3A_101 : vector<16xf32>
        %mul3A_103 = arith.constant 26 : i32
        %mul3A_104 = arith.muli %scan3A_56, %mul3A_103 : i32
        %add3A_105 = arith.constant 2 : i32
        %add3A_106 = arith.addi %mul3A_104, %add3A_105 : i32
        %get3A_107 = arith.index_cast %add3A_106 : i32 to index
        %get3A_108 = arith.constant 0 : index
        %get3A_109 = tpu.vector_load %arg6[%get3A_107, %get3A_108] {strides = array<i32>} : memref<416x64xf32, #tpu.memory_space<vmem>>, vector<1x16xf32>,
        %get3A_110 = vector.shape_cast %get3A_109 : vector<1x16xf32> to vector<16xf32>
        %add3A_111 = arith.addf %add3A_87, %get3A_110 : vector<16xf32>
        %get3A_112 = arith.index_cast %add3A_106 : i32 to index
        %get3A_113 = arith.constant 16 : index
        %get3A_114 = tpu.vector_load %arg6[%get3A_112, %get3A_113] {strides = array<i32>} : memref<416x64xf32, #tpu.memory_space<vmem>>, vector<1x16xf32>,
        %get3A_115 = vector.shape_cast %get3A_114 : vector<1x16xf32> to vector<16xf32>
        %add3A_116 = arith.addf %add3A_92, %get3A_115 : vector<16xf32>
        %get3A_117 = arith.index_cast %add3A_106 : i32 to index
        %get3A_118 = arith.constant 32 : index
        %get3A_119 = tpu.vector_load %arg6[%get3A_117, %get3A_118] {strides = array<i32>} : memref<416x64xf32, #tpu.memory_space<vmem>>, vector<1x16xf32>,
        %get3A_120 = vector.shape_cast %get3A_119 : vector<1x16xf32> to vector<16xf32>
        %add3A_121 = arith.addf %add3A_97, %get3A_120 : vector<16xf32>
        %get3A_122 = arith.index_cast %add3A_106 : i32 to index
        %get3A_123 = arith.constant 48 : index
        %get3A_124 = tpu.vector_load %arg6[%get3A_122, %get3A_123] {strides = array<i32>} : memref<416x64xf32, #tpu.memory_space<vmem>>, vector<1x16xf32>,
        %get3A_125 = vector.shape_cast %get3A_124 : vector<1x16xf32> to vector<16xf32>
        %add3A_126 = arith.addf %add3A_102, %get3A_125 : vector<16xf32>
        %mul3A_127 = arith.constant 26 : i32
        %mul3A_128 = arith.muli %scan3A_56, %mul3A_127 : i32
        %add3A_129 = arith.constant 3 : i32
        %add3A_130 = arith.addi %mul3A_128, %add3A_129 : i32
        %get3A_131 = arith.index_cast %add3A_130 : i32 to index
        %get3A_132 = arith.constant 0 : index
        %get3A_133 = tpu.vector_load %arg6[%get3A_131, %get3A_132] {strides = array<i32>} : memref<416x64xf32, #tpu.memory_space<vmem>>, vector<1x16xf32>,
        %get3A_134 = vector.shape_cast %get3A_133 : vector<1x16xf32> to vector<16xf32>
        %add3A_135 = arith.addf %add3A_111, %get3A_134 : vector<16xf32>
        %get3A_136 = arith.index_cast %add3A_130 : i32 to index
        %get3A_137 = arith.constant 16 : index
        %get3A_138 = tpu.vector_load %arg6[%get3A_136, %get3A_137] {strides = array<i32>} : memref<416x64xf32, #tpu.memory_space<vmem>>, vector<1x16xf32>,
        %get3A_139 = vector.shape_cast %get3A_138 : vector<1x16xf32> to vector<16xf32>
        %add3A_140 = arith.addf %add3A_116, %get3A_139 : vector<16xf32>
        %get3A_141 = arith.index_cast %add3A_130 : i32 to index
        %get3A_142 = arith.constant 32 : index
        %get3A_143 = tpu.vector_load %arg6[%get3A_141, %get3A_142] {strides = array<i32>} : memref<416x64xf32, #tpu.memory_space<vmem>>, vector<1x16xf32>,
        %get3A_144 = vector.shape_cast %get3A_143 : vector<1x16xf32> to vector<16xf32>
        %add3A_145 = arith.addf %add3A_121, %get3A_144 : vector<16xf32>
        %get3A_146 = arith.index_cast %add3A_130 : i32 to index
        %get3A_147 = arith.constant 48 : index
        %get3A_148 = tpu.vector_load %arg6[%get3A_146, %get3A_147] {strides = array<i32>} : memref<416x64xf32, #tpu.memory_space<vmem>>, vector<1x16xf32>,
        %get3A_149 = vector.shape_cast %get3A_148 : vector<1x16xf32> to vector<16xf32>
        %add3A_150 = arith.addf %add3A_126, %get3A_149 : vector<16xf32>
        %mul3A_151 = arith.constant 26 : i32
        %mul3A_152 = arith.muli %scan3A_56, %mul3A_151 : i32
        %add3A_153 = arith.constant 4 : i32
        %add3A_154 = arith.addi %mul3A_152, %add3A_153 : i32
        %get3A_155 = arith.index_cast %add3A_154 : i32 to index
        %get3A_156 = arith.constant 0 : index
        %get3A_157 = tpu.vector_load %arg6[%get3A_155, %get3A_156] {strides = array<i32>} : memref<416x64xf32, #tpu.memory_space<vmem>>, vector<1x16xf32>,
        %get3A_158 = vector.shape_cast %get3A_157 : vector<1x16xf32> to vector<16xf32>
        %add3A_159 = arith.addf %add3A_135, %get3A_158 : vector<16xf32>
        %get3A_160 = arith.index_cast %add3A_154 : i32 to index
        %get3A_161 = arith.constant 16 : index
        %get3A_162 = tpu.vector_load %arg6[%get3A_160, %get3A_161] {strides = array<i32>} : memref<416x64xf32, #tpu.memory_space<vmem>>, vector<1x16xf32>,
        %get3A_163 = vector.shape_cast %get3A_162 : vector<1x16xf32> to vector<16xf32>
        %add3A_164 = arith.addf %add3A_140, %get3A_163 : vector<16xf32>
        %get3A_165 = arith.index_cast %add3A_154 : i32 to index
        %get3A_166 = arith.constant 32 : index
        %get3A_167 = tpu.vector_load %arg6[%get3A_165, %get3A_166] {strides = array<i32>} : memref<416x64xf32, #tpu.memory_space<vmem>>, vector<1x16xf32>,
        %get3A_168 = vector.shape_cast %get3A_167 : vector<1x16xf32> to vector<16xf32>
        %add3A_169 = arith.addf %add3A_145, %get3A_168 : vector<16xf32>
        %get3A_170 = arith.index_cast %add3A_154 : i32 to index
        %get3A_171 = arith.constant 48 : index
        %get3A_172 = tpu.vector_load %arg6[%get3A_170, %get3A_171] {strides = array<i32>} : memref<416x64xf32, #tpu.memory_space<vmem>>, vector<1x16xf32>,
        %get3A_173 = vector.shape_cast %get3A_172 : vector<1x16xf32> to vector<16xf32>
        %add3A_174 = arith.addf %add3A_150, %get3A_173 : vector<16xf32>
        %mul3A_175 = arith.constant 26 : i32
        %mul3A_176 = arith.muli %scan3A_56, %mul3A_175 : i32
        %add3A_177 = arith.constant 5 : i32
        %add3A_178 = arith.addi %mul3A_176, %add3A_177 : i32
        %get3A_179 = arith.index_cast %add3A_178 : i32 to index
        %get3A_180 = arith.constant 0 : index
        %get3A_181 = tpu.vector_load %arg6[%get3A_179, %get3A_180] {strides = array<i32>} : memref<416x64xf32, #tpu.memory_space<vmem>>, vector<1x16xf32>,
        %get3A_182 = vector.shape_cast %get3A_181 : vector<1x16xf32> to vector<16xf32>
        %add3A_183 = arith.addf %add3A_159, %get3A_182 : vector<16xf32>
        %get3A_184 = arith.index_cast %add3A_178 : i32 to index
        %get3A_185 = arith.constant 16 : index
        %get3A_186 = tpu.vector_load %arg6[%get3A_184, %get3A_185] {strides = array<i32>} : memref<416x64xf32, #tpu.memory_space<vmem>>, vector<1x16xf32>,
        %get3A_187 = vector.shape_cast %get3A_186 : vector<1x16xf32> to vector<16xf32>
        %add3A_188 = arith.addf %add3A_164, %get3A_187 : vector<16xf32>
        %get3A_189 = arith.index_cast %add3A_178 : i32 to index
        %get3A_190 = arith.constant 32 : index
        %get3A_191 = tpu.vector_load %arg6[%get3A_189, %get3A_190] {strides = array<i32>} : memref<416x64xf32, #tpu.memory_space<vmem>>, vector<1x16xf32>,
        %get3A_192 = vector.shape_cast %get3A_191 : vector<1x16xf32> to vector<16xf32>
        %add3A_193 = arith.addf %add3A_169, %get3A_192 : vector<16xf32>
        %get3A_194 = arith.index_cast %add3A_178 : i32 to index
        %get3A_195 = arith.constant 48 : index
        %get3A_196 = tpu.vector_load %arg6[%get3A_194, %get3A_195] {strides = array<i32>} : memref<416x64xf32, #tpu.memory_space<vmem>>, vector<1x16xf32>,
        %get3A_197 = vector.shape_cast %get3A_196 : vector<1x16xf32> to vector<16xf32>
        %add3A_198 = arith.addf %add3A_174, %get3A_197 : vector<16xf32>
        %mul3A_199 = arith.constant 26 : i32
        %mul3A_200 = arith.muli %scan3A_56, %mul3A_199 : i32
        %add3A_201 = arith.constant 6 : i32
        %add3A_202 = arith.addi %mul3A_200, %add3A_201 : i32
        %get3A_203 = arith.index_cast %add3A_202 : i32 to index
        %get3A_204 = arith.constant 0 : index
        %get3A_205 = tpu.vector_load %arg6[%get3A_203, %get3A_204] {strides = array<i32>} : memref<416x64xf32, #tpu.memory_space<vmem>>, vector<1x16xf32>,
        %get3A_206 = vector.shape_cast %get3A_205 : vector<1x16xf32> to vector<16xf32>
        %add3A_207 = arith.addf %add3A_183, %get3A_206 : vector<16xf32>
        %get3A_208 = arith.index_cast %add3A_202 : i32 to index
        %get3A_209 = arith.constant 16 : index
        %get3A_210 = tpu.vector_load %arg6[%get3A_208, %get3A_209] {strides = array<i32>} : memref<416x64xf32, #tpu.memory_space<vmem>>, vector<1x16xf32>,
        %get3A_211 = vector.shape_cast %get3A_210 : vector<1x16xf32> to vector<16xf32>
        %add3A_212 = arith.addf %add3A_188, %get3A_211 : vector<16xf32>
        %get3A_213 = arith.index_cast %add3A_202 : i32 to index
        %get3A_214 = arith.constant 32 : index
        %get3A_215 = tpu.vector_load %arg6[%get3A_213, %get3A_214] {strides = array<i32>} : memref<416x64xf32, #tpu.memory_space<vmem>>, vector<1x16xf32>,
        %get3A_216 = vector.shape_cast %get3A_215 : vector<1x16xf32> to vector<16xf32>
        %add3A_217 = arith.addf %add3A_193, %get3A_216 : vector<16xf32>
        %get3A_218 = arith.index_cast %add3A_202 : i32 to index
        %get3A_219 = arith.constant 48 : index
        %get3A_220 = tpu.vector_load %arg6[%get3A_218, %get3A_219] {strides = array<i32>} : memref<416x64xf32, #tpu.memory_space<vmem>>, vector<1x16xf32>,
        %get3A_221 = vector.shape_cast %get3A_220 : vector<1x16xf32> to vector<16xf32>
        %add3A_222 = arith.addf %add3A_198, %get3A_221 : vector<16xf32>
        %mul3A_223 = arith.constant 26 : i32
        %mul3A_224 = arith.muli %scan3A_56, %mul3A_223 : i32
        %add3A_225 = arith.constant 7 : i32
        %add3A_226 = arith.addi %mul3A_224, %add3A_225 : i32
        %get3A_227 = arith.index_cast %add3A_226 : i32 to index
        %get3A_228 = arith.constant 0 : index
        %get3A_229 = tpu.vector_load %arg6[%get3A_227, %get3A_228] {strides = array<i32>} : memref<416x64xf32, #tpu.memory_space<vmem>>, vector<1x16xf32>,
        %get3A_230 = vector.shape_cast %get3A_229 : vector<1x16xf32> to vector<16xf32>
        %add3A_231 = arith.addf %add3A_207, %get3A_230 : vector<16xf32>
        %get3A_232 = arith.index_cast %add3A_226 : i32 to index
        %get3A_233 = arith.constant 16 : index
        %get3A_234 = tpu.vector_load %arg6[%get3A_232, %get3A_233] {strides = array<i32>} : memref<416x64xf32, #tpu.memory_space<vmem>>, vector<1x16xf32>,
        %get3A_235 = vector.shape_cast %get3A_234 : vector<1x16xf32> to vector<16xf32>
        %add3A_236 = arith.addf %add3A_212, %get3A_235 : vector<16xf32>
        %get3A_237 = arith.index_cast %add3A_226 : i32 to index
        %get3A_238 = arith.constant 32 : index
        %get3A_239 = tpu.vector_load %arg6[%get3A_237, %get3A_238] {strides = array<i32>} : memref<416x64xf32, #tpu.memory_space<vmem>>, vector<1x16xf32>,
        %get3A_240 = vector.shape_cast %get3A_239 : vector<1x16xf32> to vector<16xf32>
        %add3A_241 = arith.addf %add3A_217, %get3A_240 : vector<16xf32>
        %get3A_242 = arith.index_cast %add3A_226 : i32 to index
        %get3A_243 = arith.constant 48 : index
        %get3A_244 = tpu.vector_load %arg6[%get3A_242, %get3A_243] {strides = array<i32>} : memref<416x64xf32, #tpu.memory_space<vmem>>, vector<1x16xf32>,
        %get3A_245 = vector.shape_cast %get3A_244 : vector<1x16xf32> to vector<16xf32>
        %add3A_246 = arith.addf %add3A_222, %get3A_245 : vector<16xf32>
        %mul3A_247 = arith.constant 26 : i32
        %mul3A_248 = arith.muli %scan3A_56, %mul3A_247 : i32
        %add3A_249 = arith.constant 8 : i32
        %add3A_250 = arith.addi %mul3A_248, %add3A_249 : i32
        %get3A_251 = arith.index_cast %add3A_250 : i32 to index
        %get3A_252 = arith.constant 0 : index
        %get3A_253 = tpu.vector_load %arg6[%get3A_251, %get3A_252] {strides = array<i32>} : memref<416x64xf32, #tpu.memory_space<vmem>>, vector<1x16xf32>,
        %get3A_254 = vector.shape_cast %get3A_253 : vector<1x16xf32> to vector<16xf32>
        %add3A_255 = arith.addf %add3A_231, %get3A_254 : vector<16xf32>
        %get3A_256 = arith.index_cast %add3A_250 : i32 to index
        %get3A_257 = arith.constant 16 : index
        %get3A_258 = tpu.vector_load %arg6[%get3A_256, %get3A_257] {strides = array<i32>} : memref<416x64xf32, #tpu.memory_space<vmem>>, vector<1x16xf32>,
        %get3A_259 = vector.shape_cast %get3A_258 : vector<1x16xf32> to vector<16xf32>
        %add3A_260 = arith.addf %add3A_236, %get3A_259 : vector<16xf32>
        %get3A_261 = arith.index_cast %add3A_250 : i32 to index
        %get3A_262 = arith.constant 32 : index
        %get3A_263 = tpu.vector_load %arg6[%get3A_261, %get3A_262] {strides = array<i32>} : memref<416x64xf32, #tpu.memory_space<vmem>>, vector<1x16xf32>,
        %get3A_264 = vector.shape_cast %get3A_263 : vector<1x16xf32> to vector<16xf32>
        %add3A_265 = arith.addf %add3A_241, %get3A_264 : vector<16xf32>
        %get3A_266 = arith.index_cast %add3A_250 : i32 to index
        %get3A_267 = arith.constant 48 : index
        %get3A_268 = tpu.vector_load %arg6[%get3A_266, %get3A_267] {strides = array<i32>} : memref<416x64xf32, #tpu.memory_space<vmem>>, vector<1x16xf32>,
        %get3A_269 = vector.shape_cast %get3A_268 : vector<1x16xf32> to vector<16xf32>
        %add3A_270 = arith.addf %add3A_246, %get3A_269 : vector<16xf32>
        %mul3A_271 = arith.constant 26 : i32
        %mul3A_272 = arith.muli %scan3A_56, %mul3A_271 : i32
        %add3A_273 = arith.constant 9 : i32
        %add3A_274 = arith.addi %mul3A_272, %add3A_273 : i32
        %get3A_275 = arith.index_cast %add3A_274 : i32 to index
        %get3A_276 = arith.constant 0 : index
        %get3A_277 = tpu.vector_load %arg6[%get3A_275, %get3A_276] {strides = array<i32>} : memref<416x64xf32, #tpu.memory_space<vmem>>, vector<1x16xf32>,
        %get3A_278 = vector.shape_cast %get3A_277 : vector<1x16xf32> to vector<16xf32>
        %add3A_279 = arith.addf %add3A_255, %get3A_278 : vector<16xf32>
        %get3A_280 = arith.index_cast %add3A_274 : i32 to index
        %get3A_281 = arith.constant 16 : index
        %get3A_282 = tpu.vector_load %arg6[%get3A_280, %get3A_281] {strides = array<i32>} : memref<416x64xf32, #tpu.memory_space<vmem>>, vector<1x16xf32>,
        %get3A_283 = vector.shape_cast %get3A_282 : vector<1x16xf32> to vector<16xf32>
        %add3A_284 = arith.addf %add3A_260, %get3A_283 : vector<16xf32>
        %get3A_285 = arith.index_cast %add3A_274 : i32 to index
        %get3A_286 = arith.constant 32 : index
        %get3A_287 = tpu.vector_load %arg6[%get3A_285, %get3A_286] {strides = array<i32>} : memref<416x64xf32, #tpu.memory_space<vmem>>, vector<1x16xf32>,
        %get3A_288 = vector.shape_cast %get3A_287 : vector<1x16xf32> to vector<16xf32>
        %add3A_289 = arith.addf %add3A_265, %get3A_288 : vector<16xf32>
        %get3A_290 = arith.index_cast %add3A_274 : i32 to index
        %get3A_291 = arith.constant 48 : index
        %get3A_292 = tpu.vector_load %arg6[%get3A_290, %get3A_291] {strides = array<i32>} : memref<416x64xf32, #tpu.memory_space<vmem>>, vector<1x16xf32>,
        %get3A_293 = vector.shape_cast %get3A_292 : vector<1x16xf32> to vector<16xf32>
        %add3A_294 = arith.addf %add3A_270, %get3A_293 : vector<16xf32>
        %mul3A_295 = arith.constant 26 : i32
        %mul3A_296 = arith.muli %scan3A_56, %mul3A_295 : i32
        %add3A_297 = arith.constant 10 : i32
        %add3A_298 = arith.addi %mul3A_296, %add3A_297 : i32
        %get3A_299 = arith.index_cast %add3A_298 : i32 to index
        %get3A_300 = arith.constant 0 : index
        %get3A_301 = tpu.vector_load %arg6[%get3A_299, %get3A_300] {strides = array<i32>} : memref<416x64xf32, #tpu.memory_space<vmem>>, vector<1x16xf32>,
        %get3A_302 = vector.shape_cast %get3A_301 : vector<1x16xf32> to vector<16xf32>
        %add3A_303 = arith.addf %add3A_279, %get3A_302 : vector<16xf32>
        %get3A_304 = arith.index_cast %add3A_298 : i32 to index
        %get3A_305 = arith.constant 16 : index
        %get3A_306 = tpu.vector_load %arg6[%get3A_304, %get3A_305] {strides = array<i32>} : memref<416x64xf32, #tpu.memory_space<vmem>>, vector<1x16xf32>,
        %get3A_307 = vector.shape_cast %get3A_306 : vector<1x16xf32> to vector<16xf32>
        %add3A_308 = arith.addf %add3A_284, %get3A_307 : vector<16xf32>
        %get3A_309 = arith.index_cast %add3A_298 : i32 to index
        %get3A_310 = arith.constant 32 : index
        %get3A_311 = tpu.vector_load %arg6[%get3A_309, %get3A_310] {strides = array<i32>} : memref<416x64xf32, #tpu.memory_space<vmem>>, vector<1x16xf32>,
        %get3A_312 = vector.shape_cast %get3A_311 : vector<1x16xf32> to vector<16xf32>
        %add3A_313 = arith.addf %add3A_289, %get3A_312 : vector<16xf32>
        %get3A_314 = arith.index_cast %add3A_298 : i32 to index
        %get3A_315 = arith.constant 48 : index
        %get3A_316 = tpu.vector_load %arg6[%get3A_314, %get3A_315] {strides = array<i32>} : memref<416x64xf32, #tpu.memory_space<vmem>>, vector<1x16xf32>,
        %get3A_317 = vector.shape_cast %get3A_316 : vector<1x16xf32> to vector<16xf32>
        %add3A_318 = arith.addf %add3A_294, %get3A_317 : vector<16xf32>
        %mul3A_319 = arith.constant 26 : i32
        %mul3A_320 = arith.muli %scan3A_56, %mul3A_319 : i32
        %add3A_321 = arith.constant 11 : i32
        %add3A_322 = arith.addi %mul3A_320, %add3A_321 : i32
        %get3A_323 = arith.index_cast %add3A_322 : i32 to index
        %get3A_324 = arith.constant 0 : index
        %get3A_325 = tpu.vector_load %arg6[%get3A_323, %get3A_324] {strides = array<i32>} : memref<416x64xf32, #tpu.memory_space<vmem>>, vector<1x16xf32>,
        %get3A_326 = vector.shape_cast %get3A_325 : vector<1x16xf32> to vector<16xf32>
        %add3A_327 = arith.addf %add3A_303, %get3A_326 : vector<16xf32>
        %get3A_328 = arith.index_cast %add3A_322 : i32 to index
        %get3A_329 = arith.constant 16 : index
        %get3A_330 = tpu.vector_load %arg6[%get3A_328, %get3A_329] {strides = array<i32>} : memref<416x64xf32, #tpu.memory_space<vmem>>, vector<1x16xf32>,
        %get3A_331 = vector.shape_cast %get3A_330 : vector<1x16xf32> to vector<16xf32>
        %add3A_332 = arith.addf %add3A_308, %get3A_331 : vector<16xf32>
        %get3A_333 = arith.index_cast %add3A_322 : i32 to index
        %get3A_334 = arith.constant 32 : index
        %get3A_335 = tpu.vector_load %arg6[%get3A_333, %get3A_334] {strides = array<i32>} : memref<416x64xf32, #tpu.memory_space<vmem>>, vector<1x16xf32>,
        %get3A_336 = vector.shape_cast %get3A_335 : vector<1x16xf32> to vector<16xf32>
        %add3A_337 = arith.addf %add3A_313, %get3A_336 : vector<16xf32>
        %get3A_338 = arith.index_cast %add3A_322 : i32 to index
        %get3A_339 = arith.constant 48 : index
        %get3A_340 = tpu.vector_load %arg6[%get3A_338, %get3A_339] {strides = array<i32>} : memref<416x64xf32, #tpu.memory_space<vmem>>, vector<1x16xf32>,
        %get3A_341 = vector.shape_cast %get3A_340 : vector<1x16xf32> to vector<16xf32>
        %add3A_342 = arith.addf %add3A_318, %get3A_341 : vector<16xf32>
        %mul3A_343 = arith.constant 26 : i32
        %mul3A_344 = arith.muli %scan3A_56, %mul3A_343 : i32
        %add3A_345 = arith.constant 12 : i32
        %add3A_346 = arith.addi %mul3A_344, %add3A_345 : i32
        %get3A_347 = arith.index_cast %add3A_346 : i32 to index
        %get3A_348 = arith.constant 0 : index
        %get3A_349 = tpu.vector_load %arg6[%get3A_347, %get3A_348] {strides = array<i32>} : memref<416x64xf32, #tpu.memory_space<vmem>>, vector<1x16xf32>,
        %get3A_350 = vector.shape_cast %get3A_349 : vector<1x16xf32> to vector<16xf32>
        %add3A_351 = arith.addf %add3A_327, %get3A_350 : vector<16xf32>
        %get3A_352 = arith.index_cast %add3A_346 : i32 to index
        %get3A_353 = arith.constant 16 : index
        %get3A_354 = tpu.vector_load %arg6[%get3A_352, %get3A_353] {strides = array<i32>} : memref<416x64xf32, #tpu.memory_space<vmem>>, vector<1x16xf32>,
        %get3A_355 = vector.shape_cast %get3A_354 : vector<1x16xf32> to vector<16xf32>
        %add3A_356 = arith.addf %add3A_332, %get3A_355 : vector<16xf32>
        %get3A_357 = arith.index_cast %add3A_346 : i32 to index
        %get3A_358 = arith.constant 32 : index
        %get3A_359 = tpu.vector_load %arg6[%get3A_357, %get3A_358] {strides = array<i32>} : memref<416x64xf32, #tpu.memory_space<vmem>>, vector<1x16xf32>,
        %get3A_360 = vector.shape_cast %get3A_359 : vector<1x16xf32> to vector<16xf32>
        %add3A_361 = arith.addf %add3A_337, %get3A_360 : vector<16xf32>
        %get3A_362 = arith.index_cast %add3A_346 : i32 to index
        %get3A_363 = arith.constant 48 : index
        %get3A_364 = tpu.vector_load %arg6[%get3A_362, %get3A_363] {strides = array<i32>} : memref<416x64xf32, #tpu.memory_space<vmem>>, vector<1x16xf32>,
        %get3A_365 = vector.shape_cast %get3A_364 : vector<1x16xf32> to vector<16xf32>
        %add3A_366 = arith.addf %add3A_342, %get3A_365 : vector<16xf32>
        %mul3A_367 = arith.constant 26 : i32
        %mul3A_368 = arith.muli %scan3A_56, %mul3A_367 : i32
        %add3A_369 = arith.constant 13 : i32
        %add3A_370 = arith.addi %mul3A_368, %add3A_369 : i32
        %get3A_371 = arith.index_cast %add3A_370 : i32 to index
        %get3A_372 = arith.constant 0 : index
        %get3A_373 = tpu.vector_load %arg6[%get3A_371, %get3A_372] {strides = array<i32>} : memref<416x64xf32, #tpu.memory_space<vmem>>, vector<1x16xf32>,
        %get3A_374 = vector.shape_cast %get3A_373 : vector<1x16xf32> to vector<16xf32>
        %add3A_375 = arith.addf %add3A_351, %get3A_374 : vector<16xf32>
        %get3A_376 = arith.index_cast %add3A_370 : i32 to index
        %get3A_377 = arith.constant 16 : index
        %get3A_378 = tpu.vector_load %arg6[%get3A_376, %get3A_377] {strides = array<i32>} : memref<416x64xf32, #tpu.memory_space<vmem>>, vector<1x16xf32>,
        %get3A_379 = vector.shape_cast %get3A_378 : vector<1x16xf32> to vector<16xf32>
        %add3A_380 = arith.addf %add3A_356, %get3A_379 : vector<16xf32>
        %get3A_381 = arith.index_cast %add3A_370 : i32 to index
        %get3A_382 = arith.constant 32 : index
        %get3A_383 = tpu.vector_load %arg6[%get3A_381, %get3A_382] {strides = array<i32>} : memref<416x64xf32, #tpu.memory_space<vmem>>, vector<1x16xf32>,
        %get3A_384 = vector.shape_cast %get3A_383 : vector<1x16xf32> to vector<16xf32>
        %add3A_385 = arith.addf %add3A_361, %get3A_384 : vector<16xf32>
        %get3A_386 = arith.index_cast %add3A_370 : i32 to index
        %get3A_387 = arith.constant 48 : index
        %get3A_388 = tpu.vector_load %arg6[%get3A_386, %get3A_387] {strides = array<i32>} : memref<416x64xf32, #tpu.memory_space<vmem>>, vector<1x16xf32>,
        %get3A_389 = vector.shape_cast %get3A_388 : vector<1x16xf32> to vector<16xf32>
        %add3A_390 = arith.addf %add3A_366, %get3A_389 : vector<16xf32>
        %mul3A_391 = arith.constant 26 : i32
        %mul3A_392 = arith.muli %scan3A_56, %mul3A_391 : i32
        %add3A_393 = arith.constant 14 : i32
        %add3A_394 = arith.addi %mul3A_392, %add3A_393 : i32
        %get3A_395 = arith.index_cast %add3A_394 : i32 to index
        %get3A_396 = arith.constant 0 : index
        %get3A_397 = tpu.vector_load %arg6[%get3A_395, %get3A_396] {strides = array<i32>} : memref<416x64xf32, #tpu.memory_space<vmem>>, vector<1x16xf32>,
        %get3A_398 = vector.shape_cast %get3A_397 : vector<1x16xf32> to vector<16xf32>
        %add3A_399 = arith.addf %add3A_375, %get3A_398 : vector<16xf32>
        %get3A_400 = arith.index_cast %add3A_394 : i32 to index
        %get3A_401 = arith.constant 16 : index
        %get3A_402 = tpu.vector_load %arg6[%get3A_400, %get3A_401] {strides = array<i32>} : memref<416x64xf32, #tpu.memory_space<vmem>>, vector<1x16xf32>,
        %get3A_403 = vector.shape_cast %get3A_402 : vector<1x16xf32> to vector<16xf32>
        %add3A_404 = arith.addf %add3A_380, %get3A_403 : vector<16xf32>
        %get3A_405 = arith.index_cast %add3A_394 : i32 to index
        %get3A_406 = arith.constant 32 : index
        %get3A_407 = tpu.vector_load %arg6[%get3A_405, %get3A_406] {strides = array<i32>} : memref<416x64xf32, #tpu.memory_space<vmem>>, vector<1x16xf32>,
        %get3A_408 = vector.shape_cast %get3A_407 : vector<1x16xf32> to vector<16xf32>
        %add3A_409 = arith.addf %add3A_385, %get3A_408 : vector<16xf32>
        %get3A_410 = arith.index_cast %add3A_394 : i32 to index
        %get3A_411 = arith.constant 48 : index
        %get3A_412 = tpu.vector_load %arg6[%get3A_410, %get3A_411] {strides = array<i32>} : memref<416x64xf32, #tpu.memory_space<vmem>>, vector<1x16xf32>,
        %get3A_413 = vector.shape_cast %get3A_412 : vector<1x16xf32> to vector<16xf32>
        %add3A_414 = arith.addf %add3A_390, %get3A_413 : vector<16xf32>
        %mul3A_415 = arith.constant 26 : i32
        %mul3A_416 = arith.muli %scan3A_56, %mul3A_415 : i32
        %add3A_417 = arith.constant 15 : i32
        %add3A_418 = arith.addi %mul3A_416, %add3A_417 : i32
        %get3A_419 = arith.index_cast %add3A_418 : i32 to index
        %get3A_420 = arith.constant 0 : index
        %get3A_421 = tpu.vector_load %arg6[%get3A_419, %get3A_420] {strides = array<i32>} : memref<416x64xf32, #tpu.memory_space<vmem>>, vector<1x16xf32>,
        %get3A_422 = vector.shape_cast %get3A_421 : vector<1x16xf32> to vector<16xf32>
        %add3A_423 = arith.addf %add3A_399, %get3A_422 : vector<16xf32>
        %get3A_424 = arith.index_cast %add3A_418 : i32 to index
        %get3A_425 = arith.constant 16 : index
        %get3A_426 = tpu.vector_load %arg6[%get3A_424, %get3A_425] {strides = array<i32>} : memref<416x64xf32, #tpu.memory_space<vmem>>, vector<1x16xf32>,
        %get3A_427 = vector.shape_cast %get3A_426 : vector<1x16xf32> to vector<16xf32>
        %add3A_428 = arith.addf %add3A_404, %get3A_427 : vector<16xf32>
        %get3A_429 = arith.index_cast %add3A_418 : i32 to index
        %get3A_430 = arith.constant 32 : index
        %get3A_431 = tpu.vector_load %arg6[%get3A_429, %get3A_430] {strides = array<i32>} : memref<416x64xf32, #tpu.memory_space<vmem>>, vector<1x16xf32>,
        %get3A_432 = vector.shape_cast %get3A_431 : vector<1x16xf32> to vector<16xf32>
        %add3A_433 = arith.addf %add3A_409, %get3A_432 : vector<16xf32>
        %get3A_434 = arith.index_cast %add3A_418 : i32 to index
        %get3A_435 = arith.constant 48 : index
        %get3A_436 = tpu.vector_load %arg6[%get3A_434, %get3A_435] {strides = array<i32>} : memref<416x64xf32, #tpu.memory_space<vmem>>, vector<1x16xf32>,
        %get3A_437 = vector.shape_cast %get3A_436 : vector<1x16xf32> to vector<16xf32>
        %add3A_438 = arith.addf %add3A_414, %get3A_437 : vector<16xf32>
        %mul3A_439 = arith.constant 26 : i32
        %mul3A_440 = arith.muli %scan3A_56, %mul3A_439 : i32
        %add3A_441 = arith.constant 16 : i32
        %add3A_442 = arith.addi %mul3A_440, %add3A_441 : i32
        %get3A_443 = arith.index_cast %add3A_442 : i32 to index
        %get3A_444 = arith.constant 0 : index
        %get3A_445 = tpu.vector_load %arg6[%get3A_443, %get3A_444] {strides = array<i32>} : memref<416x64xf32, #tpu.memory_space<vmem>>, vector<1x16xf32>,
        %get3A_446 = vector.shape_cast %get3A_445 : vector<1x16xf32> to vector<16xf32>
        %add3A_447 = arith.addf %add3A_423, %get3A_446 : vector<16xf32>
        %get3A_448 = arith.index_cast %add3A_442 : i32 to index
        %get3A_449 = arith.constant 16 : index
        %get3A_450 = tpu.vector_load %arg6[%get3A_448, %get3A_449] {strides = array<i32>} : memref<416x64xf32, #tpu.memory_space<vmem>>, vector<1x16xf32>,
        %get3A_451 = vector.shape_cast %get3A_450 : vector<1x16xf32> to vector<16xf32>
        %add3A_452 = arith.addf %add3A_428, %get3A_451 : vector<16xf32>
        %get3A_453 = arith.index_cast %add3A_442 : i32 to index
        %get3A_454 = arith.constant 32 : index
        %get3A_455 = tpu.vector_load %arg6[%get3A_453, %get3A_454] {strides = array<i32>} : memref<416x64xf32, #tpu.memory_space<vmem>>, vector<1x16xf32>,
        %get3A_456 = vector.shape_cast %get3A_455 : vector<1x16xf32> to vector<16xf32>
        %add3A_457 = arith.addf %add3A_433, %get3A_456 : vector<16xf32>
        %get3A_458 = arith.index_cast %add3A_442 : i32 to index
        %get3A_459 = arith.constant 48 : index
        %get3A_460 = tpu.vector_load %arg6[%get3A_458, %get3A_459] {strides = array<i32>} : memref<416x64xf32, #tpu.memory_space<vmem>>, vector<1x16xf32>,
        %get3A_461 = vector.shape_cast %get3A_460 : vector<1x16xf32> to vector<16xf32>
        %add3A_462 = arith.addf %add3A_438, %get3A_461 : vector<16xf32>
        %mul3A_463 = arith.constant 26 : i32
        %mul3A_464 = arith.muli %scan3A_56, %mul3A_463 : i32
        %add3A_465 = arith.constant 17 : i32
        %add3A_466 = arith.addi %mul3A_464, %add3A_465 : i32
        %get3A_467 = arith.index_cast %add3A_466 : i32 to index
        %get3A_468 = arith.constant 0 : index
        %get3A_469 = tpu.vector_load %arg6[%get3A_467, %get3A_468] {strides = array<i32>} : memref<416x64xf32, #tpu.memory_space<vmem>>, vector<1x16xf32>,
        %get3A_470 = vector.shape_cast %get3A_469 : vector<1x16xf32> to vector<16xf32>
        %add3A_471 = arith.addf %add3A_447, %get3A_470 : vector<16xf32>
        %get3A_472 = arith.index_cast %add3A_466 : i32 to index
        %get3A_473 = arith.constant 16 : index
        %get3A_474 = tpu.vector_load %arg6[%get3A_472, %get3A_473] {strides = array<i32>} : memref<416x64xf32, #tpu.memory_space<vmem>>, vector<1x16xf32>,
        %get3A_475 = vector.shape_cast %get3A_474 : vector<1x16xf32> to vector<16xf32>
        %add3A_476 = arith.addf %add3A_452, %get3A_475 : vector<16xf32>
        %get3A_477 = arith.index_cast %add3A_466 : i32 to index
        %get3A_478 = arith.constant 32 : index
        %get3A_479 = tpu.vector_load %arg6[%get3A_477, %get3A_478] {strides = array<i32>} : memref<416x64xf32, #tpu.memory_space<vmem>>, vector<1x16xf32>,
        %get3A_480 = vector.shape_cast %get3A_479 : vector<1x16xf32> to vector<16xf32>
        %add3A_481 = arith.addf %add3A_457, %get3A_480 : vector<16xf32>
        %get3A_482 = arith.index_cast %add3A_466 : i32 to index
        %get3A_483 = arith.constant 48 : index
        %get3A_484 = tpu.vector_load %arg6[%get3A_482, %get3A_483] {strides = array<i32>} : memref<416x64xf32, #tpu.memory_space<vmem>>, vector<1x16xf32>,
        %get3A_485 = vector.shape_cast %get3A_484 : vector<1x16xf32> to vector<16xf32>
        %add3A_486 = arith.addf %add3A_462, %get3A_485 : vector<16xf32>
        %mul3A_487 = arith.constant 26 : i32
        %mul3A_488 = arith.muli %scan3A_56, %mul3A_487 : i32
        %add3A_489 = arith.constant 18 : i32
        %add3A_490 = arith.addi %mul3A_488, %add3A_489 : i32
        %get3A_491 = arith.index_cast %add3A_490 : i32 to index
        %get3A_492 = arith.constant 0 : index
        %get3A_493 = tpu.vector_load %arg6[%get3A_491, %get3A_492] {strides = array<i32>} : memref<416x64xf32, #tpu.memory_space<vmem>>, vector<1x16xf32>,
        %get3A_494 = vector.shape_cast %get3A_493 : vector<1x16xf32> to vector<16xf32>
        %add3A_495 = arith.addf %add3A_471, %get3A_494 : vector<16xf32>
        %get3A_496 = arith.index_cast %add3A_490 : i32 to index
        %get3A_497 = arith.constant 16 : index
        %get3A_498 = tpu.vector_load %arg6[%get3A_496, %get3A_497] {strides = array<i32>} : memref<416x64xf32, #tpu.memory_space<vmem>>, vector<1x16xf32>,
        %get3A_499 = vector.shape_cast %get3A_498 : vector<1x16xf32> to vector<16xf32>
        %add3A_500 = arith.addf %add3A_476, %get3A_499 : vector<16xf32>
        %get3A_501 = arith.index_cast %add3A_490 : i32 to index
        %get3A_502 = arith.constant 32 : index
        %get3A_503 = tpu.vector_load %arg6[%get3A_501, %get3A_502] {strides = array<i32>} : memref<416x64xf32, #tpu.memory_space<vmem>>, vector<1x16xf32>,
        %get3A_504 = vector.shape_cast %get3A_503 : vector<1x16xf32> to vector<16xf32>
        %add3A_505 = arith.addf %add3A_481, %get3A_504 : vector<16xf32>
        %get3A_506 = arith.index_cast %add3A_490 : i32 to index
        %get3A_507 = arith.constant 48 : index
        %get3A_508 = tpu.vector_load %arg6[%get3A_506, %get3A_507] {strides = array<i32>} : memref<416x64xf32, #tpu.memory_space<vmem>>, vector<1x16xf32>,
        %get3A_509 = vector.shape_cast %get3A_508 : vector<1x16xf32> to vector<16xf32>
        %add3A_510 = arith.addf %add3A_486, %get3A_509 : vector<16xf32>
        %mul3A_511 = arith.constant 26 : i32
        %mul3A_512 = arith.muli %scan3A_56, %mul3A_511 : i32
        %add3A_513 = arith.constant 19 : i32
        %add3A_514 = arith.addi %mul3A_512, %add3A_513 : i32
        %get3A_515 = arith.index_cast %add3A_514 : i32 to index
        %get3A_516 = arith.constant 0 : index
        %get3A_517 = tpu.vector_load %arg6[%get3A_515, %get3A_516] {strides = array<i32>} : memref<416x64xf32, #tpu.memory_space<vmem>>, vector<1x16xf32>,
        %get3A_518 = vector.shape_cast %get3A_517 : vector<1x16xf32> to vector<16xf32>
        %add3A_519 = arith.addf %add3A_495, %get3A_518 : vector<16xf32>
        %get3A_520 = arith.index_cast %add3A_514 : i32 to index
        %get3A_521 = arith.constant 16 : index
        %get3A_522 = tpu.vector_load %arg6[%get3A_520, %get3A_521] {strides = array<i32>} : memref<416x64xf32, #tpu.memory_space<vmem>>, vector<1x16xf32>,
        %get3A_523 = vector.shape_cast %get3A_522 : vector<1x16xf32> to vector<16xf32>
        %add3A_524 = arith.addf %add3A_500, %get3A_523 : vector<16xf32>
        %get3A_525 = arith.index_cast %add3A_514 : i32 to index
        %get3A_526 = arith.constant 32 : index
        %get3A_527 = tpu.vector_load %arg6[%get3A_525, %get3A_526] {strides = array<i32>} : memref<416x64xf32, #tpu.memory_space<vmem>>, vector<1x16xf32>,
        %get3A_528 = vector.shape_cast %get3A_527 : vector<1x16xf32> to vector<16xf32>
        %add3A_529 = arith.addf %add3A_505, %get3A_528 : vector<16xf32>
        %get3A_530 = arith.index_cast %add3A_514 : i32 to index
        %get3A_531 = arith.constant 48 : index
        %get3A_532 = tpu.vector_load %arg6[%get3A_530, %get3A_531] {strides = array<i32>} : memref<416x64xf32, #tpu.memory_space<vmem>>, vector<1x16xf32>,
        %get3A_533 = vector.shape_cast %get3A_532 : vector<1x16xf32> to vector<16xf32>
        %add3A_534 = arith.addf %add3A_510, %get3A_533 : vector<16xf32>
        %mul3A_535 = arith.constant 26 : i32
        %mul3A_536 = arith.muli %scan3A_56, %mul3A_535 : i32
        %add3A_537 = arith.constant 20 : i32
        %add3A_538 = arith.addi %mul3A_536, %add3A_537 : i32
        %get3A_539 = arith.index_cast %add3A_538 : i32 to index
        %get3A_540 = arith.constant 0 : index
        %get3A_541 = tpu.vector_load %arg6[%get3A_539, %get3A_540] {strides = array<i32>} : memref<416x64xf32, #tpu.memory_space<vmem>>, vector<1x16xf32>,
        %get3A_542 = vector.shape_cast %get3A_541 : vector<1x16xf32> to vector<16xf32>
        %add3A_543 = arith.addf %add3A_519, %get3A_542 : vector<16xf32>
        %get3A_544 = arith.index_cast %add3A_538 : i32 to index
        %get3A_545 = arith.constant 16 : index
        %get3A_546 = tpu.vector_load %arg6[%get3A_544, %get3A_545] {strides = array<i32>} : memref<416x64xf32, #tpu.memory_space<vmem>>, vector<1x16xf32>,
        %get3A_547 = vector.shape_cast %get3A_546 : vector<1x16xf32> to vector<16xf32>
        %add3A_548 = arith.addf %add3A_524, %get3A_547 : vector<16xf32>
        %get3A_549 = arith.index_cast %add3A_538 : i32 to index
        %get3A_550 = arith.constant 32 : index
        %get3A_551 = tpu.vector_load %arg6[%get3A_549, %get3A_550] {strides = array<i32>} : memref<416x64xf32, #tpu.memory_space<vmem>>, vector<1x16xf32>,
        %get3A_552 = vector.shape_cast %get3A_551 : vector<1x16xf32> to vector<16xf32>
        %add3A_553 = arith.addf %add3A_529, %get3A_552 : vector<16xf32>
        %get3A_554 = arith.index_cast %add3A_538 : i32 to index
        %get3A_555 = arith.constant 48 : index
        %get3A_556 = tpu.vector_load %arg6[%get3A_554, %get3A_555] {strides = array<i32>} : memref<416x64xf32, #tpu.memory_space<vmem>>, vector<1x16xf32>,
        %get3A_557 = vector.shape_cast %get3A_556 : vector<1x16xf32> to vector<16xf32>
        %add3A_558 = arith.addf %add3A_534, %get3A_557 : vector<16xf32>
        %mul3A_559 = arith.constant 26 : i32
        %mul3A_560 = arith.muli %scan3A_56, %mul3A_559 : i32
        %add3A_561 = arith.constant 21 : i32
        %add3A_562 = arith.addi %mul3A_560, %add3A_561 : i32
        %get3A_563 = arith.index_cast %add3A_562 : i32 to index
        %get3A_564 = arith.constant 0 : index
        %get3A_565 = tpu.vector_load %arg6[%get3A_563, %get3A_564] {strides = array<i32>} : memref<416x64xf32, #tpu.memory_space<vmem>>, vector<1x16xf32>,
        %get3A_566 = vector.shape_cast %get3A_565 : vector<1x16xf32> to vector<16xf32>
        %add3A_567 = arith.addf %add3A_543, %get3A_566 : vector<16xf32>
        %get3A_568 = arith.index_cast %add3A_562 : i32 to index
        %get3A_569 = arith.constant 16 : index
        %get3A_570 = tpu.vector_load %arg6[%get3A_568, %get3A_569] {strides = array<i32>} : memref<416x64xf32, #tpu.memory_space<vmem>>, vector<1x16xf32>,
        %get3A_571 = vector.shape_cast %get3A_570 : vector<1x16xf32> to vector<16xf32>
        %add3A_572 = arith.addf %add3A_548, %get3A_571 : vector<16xf32>
        %get3A_573 = arith.index_cast %add3A_562 : i32 to index
        %get3A_574 = arith.constant 32 : index
        %get3A_575 = tpu.vector_load %arg6[%get3A_573, %get3A_574] {strides = array<i32>} : memref<416x64xf32, #tpu.memory_space<vmem>>, vector<1x16xf32>,
        %get3A_576 = vector.shape_cast %get3A_575 : vector<1x16xf32> to vector<16xf32>
        %add3A_577 = arith.addf %add3A_553, %get3A_576 : vector<16xf32>
        %get3A_578 = arith.index_cast %add3A_562 : i32 to index
        %get3A_579 = arith.constant 48 : index
        %get3A_580 = tpu.vector_load %arg6[%get3A_578, %get3A_579] {strides = array<i32>} : memref<416x64xf32, #tpu.memory_space<vmem>>, vector<1x16xf32>,
        %get3A_581 = vector.shape_cast %get3A_580 : vector<1x16xf32> to vector<16xf32>
        %add3A_582 = arith.addf %add3A_558, %get3A_581 : vector<16xf32>
        %mul3A_583 = arith.constant 26 : i32
        %mul3A_584 = arith.muli %scan3A_56, %mul3A_583 : i32
        %add3A_585 = arith.constant 22 : i32
        %add3A_586 = arith.addi %mul3A_584, %add3A_585 : i32
        %get3A_587 = arith.index_cast %add3A_586 : i32 to index
        %get3A_588 = arith.constant 0 : index
        %get3A_589 = tpu.vector_load %arg6[%get3A_587, %get3A_588] {strides = array<i32>} : memref<416x64xf32, #tpu.memory_space<vmem>>, vector<1x16xf32>,
        %get3A_590 = vector.shape_cast %get3A_589 : vector<1x16xf32> to vector<16xf32>
        %add3A_591 = arith.addf %add3A_567, %get3A_590 : vector<16xf32>
        %get3A_592 = arith.index_cast %add3A_586 : i32 to index
        %get3A_593 = arith.constant 16 : index
        %get3A_594 = tpu.vector_load %arg6[%get3A_592, %get3A_593] {strides = array<i32>} : memref<416x64xf32, #tpu.memory_space<vmem>>, vector<1x16xf32>,
        %get3A_595 = vector.shape_cast %get3A_594 : vector<1x16xf32> to vector<16xf32>
        %add3A_596 = arith.addf %add3A_572, %get3A_595 : vector<16xf32>
        %get3A_597 = arith.index_cast %add3A_586 : i32 to index
        %get3A_598 = arith.constant 32 : index
        %get3A_599 = tpu.vector_load %arg6[%get3A_597, %get3A_598] {strides = array<i32>} : memref<416x64xf32, #tpu.memory_space<vmem>>, vector<1x16xf32>,
        %get3A_600 = vector.shape_cast %get3A_599 : vector<1x16xf32> to vector<16xf32>
        %add3A_601 = arith.addf %add3A_577, %get3A_600 : vector<16xf32>
        %get3A_602 = arith.index_cast %add3A_586 : i32 to index
        %get3A_603 = arith.constant 48 : index
        %get3A_604 = tpu.vector_load %arg6[%get3A_602, %get3A_603] {strides = array<i32>} : memref<416x64xf32, #tpu.memory_space<vmem>>, vector<1x16xf32>,
        %get3A_605 = vector.shape_cast %get3A_604 : vector<1x16xf32> to vector<16xf32>
        %add3A_606 = arith.addf %add3A_582, %get3A_605 : vector<16xf32>
        %mul3A_607 = arith.constant 26 : i32
        %mul3A_608 = arith.muli %scan3A_56, %mul3A_607 : i32
        %add3A_609 = arith.constant 23 : i32
        %add3A_610 = arith.addi %mul3A_608, %add3A_609 : i32
        %get3A_611 = arith.index_cast %add3A_610 : i32 to index
        %get3A_612 = arith.constant 0 : index
        %get3A_613 = tpu.vector_load %arg6[%get3A_611, %get3A_612] {strides = array<i32>} : memref<416x64xf32, #tpu.memory_space<vmem>>, vector<1x16xf32>,
        %get3A_614 = vector.shape_cast %get3A_613 : vector<1x16xf32> to vector<16xf32>
        %add3A_615 = arith.addf %add3A_591, %get3A_614 : vector<16xf32>
        %get3A_616 = arith.index_cast %add3A_610 : i32 to index
        %get3A_617 = arith.constant 16 : index
        %get3A_618 = tpu.vector_load %arg6[%get3A_616, %get3A_617] {strides = array<i32>} : memref<416x64xf32, #tpu.memory_space<vmem>>, vector<1x16xf32>,
        %get3A_619 = vector.shape_cast %get3A_618 : vector<1x16xf32> to vector<16xf32>
        %add3A_620 = arith.addf %add3A_596, %get3A_619 : vector<16xf32>
        %get3A_621 = arith.index_cast %add3A_610 : i32 to index
        %get3A_622 = arith.constant 32 : index
        %get3A_623 = tpu.vector_load %arg6[%get3A_621, %get3A_622] {strides = array<i32>} : memref<416x64xf32, #tpu.memory_space<vmem>>, vector<1x16xf32>,
        %get3A_624 = vector.shape_cast %get3A_623 : vector<1x16xf32> to vector<16xf32>
        %add3A_625 = arith.addf %add3A_601, %get3A_624 : vector<16xf32>
        %get3A_626 = arith.index_cast %add3A_610 : i32 to index
        %get3A_627 = arith.constant 48 : index
        %get3A_628 = tpu.vector_load %arg6[%get3A_626, %get3A_627] {strides = array<i32>} : memref<416x64xf32, #tpu.memory_space<vmem>>, vector<1x16xf32>,
        %get3A_629 = vector.shape_cast %get3A_628 : vector<1x16xf32> to vector<16xf32>
        %add3A_630 = arith.addf %add3A_606, %get3A_629 : vector<16xf32>
        %mul3A_631 = arith.constant 26 : i32
        %mul3A_632 = arith.muli %scan3A_56, %mul3A_631 : i32
        %add3A_633 = arith.constant 24 : i32
        %add3A_634 = arith.addi %mul3A_632, %add3A_633 : i32
        %get3A_635 = arith.index_cast %add3A_634 : i32 to index
        %get3A_636 = arith.constant 0 : index
        %get3A_637 = tpu.vector_load %arg6[%get3A_635, %get3A_636] {strides = array<i32>} : memref<416x64xf32, #tpu.memory_space<vmem>>, vector<1x16xf32>,
        %get3A_638 = vector.shape_cast %get3A_637 : vector<1x16xf32> to vector<16xf32>
        %add3A_639 = arith.addf %add3A_615, %get3A_638 : vector<16xf32>
        %get3A_640 = arith.index_cast %add3A_634 : i32 to index
        %get3A_641 = arith.constant 16 : index
        %get3A_642 = tpu.vector_load %arg6[%get3A_640, %get3A_641] {strides = array<i32>} : memref<416x64xf32, #tpu.memory_space<vmem>>, vector<1x16xf32>,
        %get3A_643 = vector.shape_cast %get3A_642 : vector<1x16xf32> to vector<16xf32>
        %add3A_644 = arith.addf %add3A_620, %get3A_643 : vector<16xf32>
        %get3A_645 = arith.index_cast %add3A_634 : i32 to index
        %get3A_646 = arith.constant 32 : index
        %get3A_647 = tpu.vector_load %arg6[%get3A_645, %get3A_646] {strides = array<i32>} : memref<416x64xf32, #tpu.memory_space<vmem>>, vector<1x16xf32>,
        %get3A_648 = vector.shape_cast %get3A_647 : vector<1x16xf32> to vector<16xf32>
        %add3A_649 = arith.addf %add3A_625, %get3A_648 : vector<16xf32>
        %get3A_650 = arith.index_cast %add3A_634 : i32 to index
        %get3A_651 = arith.constant 48 : index
        %get3A_652 = tpu.vector_load %arg6[%get3A_650, %get3A_651] {strides = array<i32>} : memref<416x64xf32, #tpu.memory_space<vmem>>, vector<1x16xf32>,
        %get3A_653 = vector.shape_cast %get3A_652 : vector<1x16xf32> to vector<16xf32>
        %add3A_654 = arith.addf %add3A_630, %get3A_653 : vector<16xf32>
        %mul3A_655 = arith.constant 26 : i32
        %mul3A_656 = arith.muli %scan3A_56, %mul3A_655 : i32
        %add3A_657 = arith.constant 25 : i32
        %add3A_658 = arith.addi %mul3A_656, %add3A_657 : i32
        %get3A_659 = arith.index_cast %add3A_658 : i32 to index
        %get3A_660 = arith.constant 0 : index
        %get3A_661 = tpu.vector_load %arg6[%get3A_659, %get3A_660] {strides = array<i32>} : memref<416x64xf32, #tpu.memory_space<vmem>>, vector<1x16xf32>,
        %get3A_662 = vector.shape_cast %get3A_661 : vector<1x16xf32> to vector<16xf32>
        %add3A_663 = arith.addf %add3A_639, %get3A_662 : vector<16xf32>
        %get3A_664 = arith.index_cast %add3A_658 : i32 to index
        %get3A_665 = arith.constant 16 : index
        %get3A_666 = tpu.vector_load %arg6[%get3A_664, %get3A_665] {strides = array<i32>} : memref<416x64xf32, #tpu.memory_space<vmem>>, vector<1x16xf32>,
        %get3A_667 = vector.shape_cast %get3A_666 : vector<1x16xf32> to vector<16xf32>
        %add3A_668 = arith.addf %add3A_644, %get3A_667 : vector<16xf32>
        %get3A_669 = arith.index_cast %add3A_658 : i32 to index
        %get3A_670 = arith.constant 32 : index
        %get3A_671 = tpu.vector_load %arg6[%get3A_669, %get3A_670] {strides = array<i32>} : memref<416x64xf32, #tpu.memory_space<vmem>>, vector<1x16xf32>,
        %get3A_672 = vector.shape_cast %get3A_671 : vector<1x16xf32> to vector<16xf32>
        %add3A_673 = arith.addf %add3A_649, %get3A_672 : vector<16xf32>
        %get3A_674 = arith.index_cast %add3A_658 : i32 to index
        %get3A_675 = arith.constant 48 : index
        %get3A_676 = tpu.vector_load %arg6[%get3A_674, %get3A_675] {strides = array<i32>} : memref<416x64xf32, #tpu.memory_space<vmem>>, vector<1x16xf32>,
        %get3A_677 = vector.shape_cast %get3A_676 : vector<1x16xf32> to vector<16xf32>
        %add3A_678 = arith.addf %add3A_654, %get3A_677 : vector<16xf32>
        %mul3A_679 = arith.constant 0.0384615399 : f32
        %mul3A_680 = vector.broadcast %mul3A_679 : f32 to vector<16xf32>
        %mul3A_681 = arith.mulf %add3A_663, %mul3A_680 : vector<16xf32>
        %swap3A = arith.index_cast %add3A_59 : i32 to index
        %swap3A_682 = arith.constant 0 : index
        %swap3A_683 = tpu.vector_load %arg8[%swap3A, %swap3A_682] {strides = array<i32>} : memref<512x64xf32, #tpu.memory_space<vmem>>, vector<1x16xf32>,
        %swap3A_684 = vector.shape_cast %swap3A_683 : vector<1x16xf32> to vector<16xf32>
        %swap3A_685 = vector.shape_cast %mul3A_681 : vector<16xf32> to vector<1x16xf32>
        tpu.vector_store %arg8[%swap3A, %swap3A_682], %swap3A_685 {strides = array<i32>} : memref<512x64xf32, #tpu.memory_space<vmem>>, vector<1x16xf32>,
        %mul3A_686 = arith.constant 0.0384615399 : f32
        %mul3A_687 = vector.broadcast %mul3A_686 : f32 to vector<16xf32>
        %mul3A_688 = arith.mulf %add3A_668, %mul3A_687 : vector<16xf32>
        %swap3A_689 = arith.index_cast %add3A_59 : i32 to index
        %swap3A_690 = arith.constant 16 : index
        %swap3A_691 = tpu.vector_load %arg8[%swap3A_689, %swap3A_690] {strides = array<i32>} : memref<512x64xf32, #tpu.memory_space<vmem>>, vector<1x16xf32>,
        %swap3A_692 = vector.shape_cast %swap3A_691 : vector<1x16xf32> to vector<16xf32>
        %swap3A_693 = vector.shape_cast %mul3A_688 : vector<16xf32> to vector<1x16xf32>
        tpu.vector_store %arg8[%swap3A_689, %swap3A_690], %swap3A_693 {strides = array<i32>} : memref<512x64xf32, #tpu.memory_space<vmem>>, vector<1x16xf32>,
        %mul3A_694 = arith.constant 0.0384615399 : f32
        %mul3A_695 = vector.broadcast %mul3A_694 : f32 to vector<16xf32>
        %mul3A_696 = arith.mulf %add3A_673, %mul3A_695 : vector<16xf32>
        %swap3A_697 = arith.index_cast %add3A_59 : i32 to index
        %swap3A_698 = arith.constant 32 : index
        %swap3A_699 = tpu.vector_load %arg8[%swap3A_697, %swap3A_698] {strides = array<i32>} : memref<512x64xf32, #tpu.memory_space<vmem>>, vector<1x16xf32>,
        %swap3A_700 = vector.shape_cast %swap3A_699 : vector<1x16xf32> to vector<16xf32>
        %swap3A_701 = vector.shape_cast %mul3A_696 : vector<16xf32> to vector<1x16xf32>
        tpu.vector_store %arg8[%swap3A_697, %swap3A_698], %swap3A_701 {strides = array<i32>} : memref<512x64xf32, #tpu.memory_space<vmem>>, vector<1x16xf32>,
        %mul3A_702 = arith.constant 0.0384615399 : f32
        %mul3A_703 = vector.broadcast %mul3A_702 : f32 to vector<16xf32>
        %mul3A_704 = arith.mulf %add3A_678, %mul3A_703 : vector<16xf32>
        %swap3A_705 = arith.index_cast %add3A_59 : i32 to index
        %swap3A_706 = arith.constant 48 : index
        %swap3A_707 = tpu.vector_load %arg8[%swap3A_705, %swap3A_706] {strides = array<i32>} : memref<512x64xf32, #tpu.memory_space<vmem>>, vector<1x16xf32>,
        %swap3A_708 = vector.shape_cast %swap3A_707 : vector<1x16xf32> to vector<16xf32>
        %swap3A_709 = vector.shape_cast %mul3A_704 : vector<16xf32> to vector<1x16xf32>
        tpu.vector_store %arg8[%swap3A_705, %swap3A_706], %swap3A_709 {strides = array<i32>} : memref<512x64xf32, #tpu.memory_space<vmem>>, vector<1x16xf32>,
      }
      %scan3A_36 = arith.constant 16 : i32
      %lt3A = arith.constant 15 : i32
      %lt3A_37 = arith.cmpi slt, %scan3A_19, %lt3A : i32
      %convert_element_type3A = arith.extui %lt3A_37 : i1 to i32
      %cond3A = arith.constant 0 : i32
      %cond3A_38 = arith.cmpi ne, %convert_element_type3A, %cond3A : i32
      scf.if %cond3A_38 {
        %add3A_56 = arith.constant 2 : i32
        %add3A_57 = arith.addi %mul3A_21, %add3A_56 : i32
        %mul3A_58 = arith.constant 416 : i32
        %mul3A_59 = arith.muli %add3A_57, %mul3A_58 : i32
        %dma_start3A_60 = tpu.memref_slice %arg5[%mul3A_59] : memref<13312xi32, #tpu.memory_space<vmem>> -> memref<416xi32, #tpu.memory_space<vmem>>
        %dma_start3A_61 = arith.constant 0 : i32
        %dma_start3A_62 = arith.constant 0 : i32
        %dma_start3A_63 = tpu.memref_slice %arg2[%dma_start3A_61, %dma_start3A_62] : memref<2600000x64xf32, #tpu.memory_space<hbm>> -> memref<2600000x64xf32, #tpu.memory_space<hbm>>
        tpu.enqueue_indirect_dma source(%dma_start3A_63 : memref<2600000x64xf32, #tpu.memory_space<hbm>>) target(%arg6 : memref<416x64xf32, #tpu.memory_space<vmem>>) offsets(%dma_start3A_60 : memref<416xi32, #tpu.memory_space<vmem>>) semaphore(%arg9 : memref<!tpu.dma_semaphore, #tpu.memory_space<semaphore_mem>>)
      } else {
      }
      %mul3A_39 = arith.constant 416 : i32
      %mul3A_40 = arith.muli %add3A_25, %mul3A_39 : i32
      %dma_wait3A_41 = tpu.memref_slice %arg5[%mul3A_40] : memref<13312xi32, #tpu.memory_space<vmem>> -> memref<416xi32, #tpu.memory_space<vmem>>
      %dma_wait3A_42 = arith.constant 0 : i32
      %dma_wait3A_43 = arith.constant 0 : i32
      %dma_wait3A_44 = tpu.memref_slice %arg2[%dma_wait3A_42, %dma_wait3A_43] : memref<2600000x64xf32, #tpu.memory_space<hbm>> -> memref<2600000x64xf32, #tpu.memory_space<hbm>>
      tpu.wait_indirect_dma semaphore(%arg10 : memref<!tpu.dma_semaphore, #tpu.memory_space<semaphore_mem>>) src(%dma_wait3A_44 : memref<2600000x64xf32, #tpu.memory_space<hbm>>) dst(%arg7 : memref<416x64xf32, #tpu.memory_space<vmem>>)
      %scan3A_45 = arith.constant 0 : i32
      %scan3A_46 = arith.constant 0 : i32
      %scan3A_47 = arith.constant 16 : i32
      %scan3A_48 = arith.addi %scan3A_46, %scan3A_47 : i32
      %scan3A_49 = arith.constant 1 : i32
      scf.for %scan3A_56 = %scan3A_46 to %scan3A_48 step %scan3A_49  : i32 {
        %mul3A_57 = arith.constant 16 : i32
        %mul3A_58 = arith.muli %add3A_25, %mul3A_57 : i32
        %add3A_59 = arith.addi %mul3A_58, %scan3A_56 : i32
        %mul3A_60 = arith.constant 26 : i32
        %mul3A_61 = arith.muli %scan3A_56, %mul3A_60 : i32
        %add3A_62 = arith.constant 0 : i32
        %add3A_63 = arith.addi %mul3A_61, %add3A_62 : i32
        %get3A = arith.index_cast %add3A_63 : i32 to index
        %get3A_64 = arith.constant 0 : index
        %get3A_65 = tpu.vector_load %arg7[%get3A, %get3A_64] {strides = array<i32>} : memref<416x64xf32, #tpu.memory_space<vmem>>, vector<1x16xf32>,
        %get3A_66 = vector.shape_cast %get3A_65 : vector<1x16xf32> to vector<16xf32>
        %get3A_67 = arith.index_cast %add3A_63 : i32 to index
        %get3A_68 = arith.constant 16 : index
        %get3A_69 = tpu.vector_load %arg7[%get3A_67, %get3A_68] {strides = array<i32>} : memref<416x64xf32, #tpu.memory_space<vmem>>, vector<1x16xf32>,
        %get3A_70 = vector.shape_cast %get3A_69 : vector<1x16xf32> to vector<16xf32>
        %get3A_71 = arith.index_cast %add3A_63 : i32 to index
        %get3A_72 = arith.constant 32 : index
        %get3A_73 = tpu.vector_load %arg7[%get3A_71, %get3A_72] {strides = array<i32>} : memref<416x64xf32, #tpu.memory_space<vmem>>, vector<1x16xf32>,
        %get3A_74 = vector.shape_cast %get3A_73 : vector<1x16xf32> to vector<16xf32>
        %get3A_75 = arith.index_cast %add3A_63 : i32 to index
        %get3A_76 = arith.constant 48 : index
        %get3A_77 = tpu.vector_load %arg7[%get3A_75, %get3A_76] {strides = array<i32>} : memref<416x64xf32, #tpu.memory_space<vmem>>, vector<1x16xf32>,
        %get3A_78 = vector.shape_cast %get3A_77 : vector<1x16xf32> to vector<16xf32>
        %mul3A_79 = arith.constant 26 : i32
        %mul3A_80 = arith.muli %scan3A_56, %mul3A_79 : i32
        %add3A_81 = arith.constant 1 : i32
        %add3A_82 = arith.addi %mul3A_80, %add3A_81 : i32
        %get3A_83 = arith.index_cast %add3A_82 : i32 to index
        %get3A_84 = arith.constant 0 : index
        %get3A_85 = tpu.vector_load %arg7[%get3A_83, %get3A_84] {strides = array<i32>} : memref<416x64xf32, #tpu.memory_space<vmem>>, vector<1x16xf32>,
        %get3A_86 = vector.shape_cast %get3A_85 : vector<1x16xf32> to vector<16xf32>
        %add3A_87 = arith.addf %get3A_66, %get3A_86 : vector<16xf32>
        %get3A_88 = arith.index_cast %add3A_82 : i32 to index
        %get3A_89 = arith.constant 16 : index
        %get3A_90 = tpu.vector_load %arg7[%get3A_88, %get3A_89] {strides = array<i32>} : memref<416x64xf32, #tpu.memory_space<vmem>>, vector<1x16xf32>,
        %get3A_91 = vector.shape_cast %get3A_90 : vector<1x16xf32> to vector<16xf32>
        %add3A_92 = arith.addf %get3A_70, %get3A_91 : vector<16xf32>
        %get3A_93 = arith.index_cast %add3A_82 : i32 to index
        %get3A_94 = arith.constant 32 : index
        %get3A_95 = tpu.vector_load %arg7[%get3A_93, %get3A_94] {strides = array<i32>} : memref<416x64xf32, #tpu.memory_space<vmem>>, vector<1x16xf32>,
        %get3A_96 = vector.shape_cast %get3A_95 : vector<1x16xf32> to vector<16xf32>
        %add3A_97 = arith.addf %get3A_74, %get3A_96 : vector<16xf32>
        %get3A_98 = arith.index_cast %add3A_82 : i32 to index
        %get3A_99 = arith.constant 48 : index
        %get3A_100 = tpu.vector_load %arg7[%get3A_98, %get3A_99] {strides = array<i32>} : memref<416x64xf32, #tpu.memory_space<vmem>>, vector<1x16xf32>,
        %get3A_101 = vector.shape_cast %get3A_100 : vector<1x16xf32> to vector<16xf32>
        %add3A_102 = arith.addf %get3A_78, %get3A_101 : vector<16xf32>
        %mul3A_103 = arith.constant 26 : i32
        %mul3A_104 = arith.muli %scan3A_56, %mul3A_103 : i32
        %add3A_105 = arith.constant 2 : i32
        %add3A_106 = arith.addi %mul3A_104, %add3A_105 : i32
        %get3A_107 = arith.index_cast %add3A_106 : i32 to index
        %get3A_108 = arith.constant 0 : index
        %get3A_109 = tpu.vector_load %arg7[%get3A_107, %get3A_108] {strides = array<i32>} : memref<416x64xf32, #tpu.memory_space<vmem>>, vector<1x16xf32>,
        %get3A_110 = vector.shape_cast %get3A_109 : vector<1x16xf32> to vector<16xf32>
        %add3A_111 = arith.addf %add3A_87, %get3A_110 : vector<16xf32>
        %get3A_112 = arith.index_cast %add3A_106 : i32 to index
        %get3A_113 = arith.constant 16 : index
        %get3A_114 = tpu.vector_load %arg7[%get3A_112, %get3A_113] {strides = array<i32>} : memref<416x64xf32, #tpu.memory_space<vmem>>, vector<1x16xf32>,
        %get3A_115 = vector.shape_cast %get3A_114 : vector<1x16xf32> to vector<16xf32>
        %add3A_116 = arith.addf %add3A_92, %get3A_115 : vector<16xf32>
        %get3A_117 = arith.index_cast %add3A_106 : i32 to index
        %get3A_118 = arith.constant 32 : index
        %get3A_119 = tpu.vector_load %arg7[%get3A_117, %get3A_118] {strides = array<i32>} : memref<416x64xf32, #tpu.memory_space<vmem>>, vector<1x16xf32>,
        %get3A_120 = vector.shape_cast %get3A_119 : vector<1x16xf32> to vector<16xf32>
        %add3A_121 = arith.addf %add3A_97, %get3A_120 : vector<16xf32>
        %get3A_122 = arith.index_cast %add3A_106 : i32 to index
        %get3A_123 = arith.constant 48 : index
        %get3A_124 = tpu.vector_load %arg7[%get3A_122, %get3A_123] {strides = array<i32>} : memref<416x64xf32, #tpu.memory_space<vmem>>, vector<1x16xf32>,
        %get3A_125 = vector.shape_cast %get3A_124 : vector<1x16xf32> to vector<16xf32>
        %add3A_126 = arith.addf %add3A_102, %get3A_125 : vector<16xf32>
        %mul3A_127 = arith.constant 26 : i32
        %mul3A_128 = arith.muli %scan3A_56, %mul3A_127 : i32
        %add3A_129 = arith.constant 3 : i32
        %add3A_130 = arith.addi %mul3A_128, %add3A_129 : i32
        %get3A_131 = arith.index_cast %add3A_130 : i32 to index
        %get3A_132 = arith.constant 0 : index
        %get3A_133 = tpu.vector_load %arg7[%get3A_131, %get3A_132] {strides = array<i32>} : memref<416x64xf32, #tpu.memory_space<vmem>>, vector<1x16xf32>,
        %get3A_134 = vector.shape_cast %get3A_133 : vector<1x16xf32> to vector<16xf32>
        %add3A_135 = arith.addf %add3A_111, %get3A_134 : vector<16xf32>
        %get3A_136 = arith.index_cast %add3A_130 : i32 to index
        %get3A_137 = arith.constant 16 : index
        %get3A_138 = tpu.vector_load %arg7[%get3A_136, %get3A_137] {strides = array<i32>} : memref<416x64xf32, #tpu.memory_space<vmem>>, vector<1x16xf32>,
        %get3A_139 = vector.shape_cast %get3A_138 : vector<1x16xf32> to vector<16xf32>
        %add3A_140 = arith.addf %add3A_116, %get3A_139 : vector<16xf32>
        %get3A_141 = arith.index_cast %add3A_130 : i32 to index
        %get3A_142 = arith.constant 32 : index
        %get3A_143 = tpu.vector_load %arg7[%get3A_141, %get3A_142] {strides = array<i32>} : memref<416x64xf32, #tpu.memory_space<vmem>>, vector<1x16xf32>,
        %get3A_144 = vector.shape_cast %get3A_143 : vector<1x16xf32> to vector<16xf32>
        %add3A_145 = arith.addf %add3A_121, %get3A_144 : vector<16xf32>
        %get3A_146 = arith.index_cast %add3A_130 : i32 to index
        %get3A_147 = arith.constant 48 : index
        %get3A_148 = tpu.vector_load %arg7[%get3A_146, %get3A_147] {strides = array<i32>} : memref<416x64xf32, #tpu.memory_space<vmem>>, vector<1x16xf32>,
        %get3A_149 = vector.shape_cast %get3A_148 : vector<1x16xf32> to vector<16xf32>
        %add3A_150 = arith.addf %add3A_126, %get3A_149 : vector<16xf32>
        %mul3A_151 = arith.constant 26 : i32
        %mul3A_152 = arith.muli %scan3A_56, %mul3A_151 : i32
        %add3A_153 = arith.constant 4 : i32
        %add3A_154 = arith.addi %mul3A_152, %add3A_153 : i32
        %get3A_155 = arith.index_cast %add3A_154 : i32 to index
        %get3A_156 = arith.constant 0 : index
        %get3A_157 = tpu.vector_load %arg7[%get3A_155, %get3A_156] {strides = array<i32>} : memref<416x64xf32, #tpu.memory_space<vmem>>, vector<1x16xf32>,
        %get3A_158 = vector.shape_cast %get3A_157 : vector<1x16xf32> to vector<16xf32>
        %add3A_159 = arith.addf %add3A_135, %get3A_158 : vector<16xf32>
        %get3A_160 = arith.index_cast %add3A_154 : i32 to index
        %get3A_161 = arith.constant 16 : index
        %get3A_162 = tpu.vector_load %arg7[%get3A_160, %get3A_161] {strides = array<i32>} : memref<416x64xf32, #tpu.memory_space<vmem>>, vector<1x16xf32>,
        %get3A_163 = vector.shape_cast %get3A_162 : vector<1x16xf32> to vector<16xf32>
        %add3A_164 = arith.addf %add3A_140, %get3A_163 : vector<16xf32>
        %get3A_165 = arith.index_cast %add3A_154 : i32 to index
        %get3A_166 = arith.constant 32 : index
        %get3A_167 = tpu.vector_load %arg7[%get3A_165, %get3A_166] {strides = array<i32>} : memref<416x64xf32, #tpu.memory_space<vmem>>, vector<1x16xf32>,
        %get3A_168 = vector.shape_cast %get3A_167 : vector<1x16xf32> to vector<16xf32>
        %add3A_169 = arith.addf %add3A_145, %get3A_168 : vector<16xf32>
        %get3A_170 = arith.index_cast %add3A_154 : i32 to index
        %get3A_171 = arith.constant 48 : index
        %get3A_172 = tpu.vector_load %arg7[%get3A_170, %get3A_171] {strides = array<i32>} : memref<416x64xf32, #tpu.memory_space<vmem>>, vector<1x16xf32>,
        %get3A_173 = vector.shape_cast %get3A_172 : vector<1x16xf32> to vector<16xf32>
        %add3A_174 = arith.addf %add3A_150, %get3A_173 : vector<16xf32>
        %mul3A_175 = arith.constant 26 : i32
        %mul3A_176 = arith.muli %scan3A_56, %mul3A_175 : i32
        %add3A_177 = arith.constant 5 : i32
        %add3A_178 = arith.addi %mul3A_176, %add3A_177 : i32
        %get3A_179 = arith.index_cast %add3A_178 : i32 to index
        %get3A_180 = arith.constant 0 : index
        %get3A_181 = tpu.vector_load %arg7[%get3A_179, %get3A_180] {strides = array<i32>} : memref<416x64xf32, #tpu.memory_space<vmem>>, vector<1x16xf32>,
        %get3A_182 = vector.shape_cast %get3A_181 : vector<1x16xf32> to vector<16xf32>
        %add3A_183 = arith.addf %add3A_159, %get3A_182 : vector<16xf32>
        %get3A_184 = arith.index_cast %add3A_178 : i32 to index
        %get3A_185 = arith.constant 16 : index
        %get3A_186 = tpu.vector_load %arg7[%get3A_184, %get3A_185] {strides = array<i32>} : memref<416x64xf32, #tpu.memory_space<vmem>>, vector<1x16xf32>,
        %get3A_187 = vector.shape_cast %get3A_186 : vector<1x16xf32> to vector<16xf32>
        %add3A_188 = arith.addf %add3A_164, %get3A_187 : vector<16xf32>
        %get3A_189 = arith.index_cast %add3A_178 : i32 to index
        %get3A_190 = arith.constant 32 : index
        %get3A_191 = tpu.vector_load %arg7[%get3A_189, %get3A_190] {strides = array<i32>} : memref<416x64xf32, #tpu.memory_space<vmem>>, vector<1x16xf32>,
        %get3A_192 = vector.shape_cast %get3A_191 : vector<1x16xf32> to vector<16xf32>
        %add3A_193 = arith.addf %add3A_169, %get3A_192 : vector<16xf32>
        %get3A_194 = arith.index_cast %add3A_178 : i32 to index
        %get3A_195 = arith.constant 48 : index
        %get3A_196 = tpu.vector_load %arg7[%get3A_194, %get3A_195] {strides = array<i32>} : memref<416x64xf32, #tpu.memory_space<vmem>>, vector<1x16xf32>,
        %get3A_197 = vector.shape_cast %get3A_196 : vector<1x16xf32> to vector<16xf32>
        %add3A_198 = arith.addf %add3A_174, %get3A_197 : vector<16xf32>
        %mul3A_199 = arith.constant 26 : i32
        %mul3A_200 = arith.muli %scan3A_56, %mul3A_199 : i32
        %add3A_201 = arith.constant 6 : i32
        %add3A_202 = arith.addi %mul3A_200, %add3A_201 : i32
        %get3A_203 = arith.index_cast %add3A_202 : i32 to index
        %get3A_204 = arith.constant 0 : index
        %get3A_205 = tpu.vector_load %arg7[%get3A_203, %get3A_204] {strides = array<i32>} : memref<416x64xf32, #tpu.memory_space<vmem>>, vector<1x16xf32>,
        %get3A_206 = vector.shape_cast %get3A_205 : vector<1x16xf32> to vector<16xf32>
        %add3A_207 = arith.addf %add3A_183, %get3A_206 : vector<16xf32>
        %get3A_208 = arith.index_cast %add3A_202 : i32 to index
        %get3A_209 = arith.constant 16 : index
        %get3A_210 = tpu.vector_load %arg7[%get3A_208, %get3A_209] {strides = array<i32>} : memref<416x64xf32, #tpu.memory_space<vmem>>, vector<1x16xf32>,
        %get3A_211 = vector.shape_cast %get3A_210 : vector<1x16xf32> to vector<16xf32>
        %add3A_212 = arith.addf %add3A_188, %get3A_211 : vector<16xf32>
        %get3A_213 = arith.index_cast %add3A_202 : i32 to index
        %get3A_214 = arith.constant 32 : index
        %get3A_215 = tpu.vector_load %arg7[%get3A_213, %get3A_214] {strides = array<i32>} : memref<416x64xf32, #tpu.memory_space<vmem>>, vector<1x16xf32>,
        %get3A_216 = vector.shape_cast %get3A_215 : vector<1x16xf32> to vector<16xf32>
        %add3A_217 = arith.addf %add3A_193, %get3A_216 : vector<16xf32>
        %get3A_218 = arith.index_cast %add3A_202 : i32 to index
        %get3A_219 = arith.constant 48 : index
        %get3A_220 = tpu.vector_load %arg7[%get3A_218, %get3A_219] {strides = array<i32>} : memref<416x64xf32, #tpu.memory_space<vmem>>, vector<1x16xf32>,
        %get3A_221 = vector.shape_cast %get3A_220 : vector<1x16xf32> to vector<16xf32>
        %add3A_222 = arith.addf %add3A_198, %get3A_221 : vector<16xf32>
        %mul3A_223 = arith.constant 26 : i32
        %mul3A_224 = arith.muli %scan3A_56, %mul3A_223 : i32
        %add3A_225 = arith.constant 7 : i32
        %add3A_226 = arith.addi %mul3A_224, %add3A_225 : i32
        %get3A_227 = arith.index_cast %add3A_226 : i32 to index
        %get3A_228 = arith.constant 0 : index
        %get3A_229 = tpu.vector_load %arg7[%get3A_227, %get3A_228] {strides = array<i32>} : memref<416x64xf32, #tpu.memory_space<vmem>>, vector<1x16xf32>,
        %get3A_230 = vector.shape_cast %get3A_229 : vector<1x16xf32> to vector<16xf32>
        %add3A_231 = arith.addf %add3A_207, %get3A_230 : vector<16xf32>
        %get3A_232 = arith.index_cast %add3A_226 : i32 to index
        %get3A_233 = arith.constant 16 : index
        %get3A_234 = tpu.vector_load %arg7[%get3A_232, %get3A_233] {strides = array<i32>} : memref<416x64xf32, #tpu.memory_space<vmem>>, vector<1x16xf32>,
        %get3A_235 = vector.shape_cast %get3A_234 : vector<1x16xf32> to vector<16xf32>
        %add3A_236 = arith.addf %add3A_212, %get3A_235 : vector<16xf32>
        %get3A_237 = arith.index_cast %add3A_226 : i32 to index
        %get3A_238 = arith.constant 32 : index
        %get3A_239 = tpu.vector_load %arg7[%get3A_237, %get3A_238] {strides = array<i32>} : memref<416x64xf32, #tpu.memory_space<vmem>>, vector<1x16xf32>,
        %get3A_240 = vector.shape_cast %get3A_239 : vector<1x16xf32> to vector<16xf32>
        %add3A_241 = arith.addf %add3A_217, %get3A_240 : vector<16xf32>
        %get3A_242 = arith.index_cast %add3A_226 : i32 to index
        %get3A_243 = arith.constant 48 : index
        %get3A_244 = tpu.vector_load %arg7[%get3A_242, %get3A_243] {strides = array<i32>} : memref<416x64xf32, #tpu.memory_space<vmem>>, vector<1x16xf32>,
        %get3A_245 = vector.shape_cast %get3A_244 : vector<1x16xf32> to vector<16xf32>
        %add3A_246 = arith.addf %add3A_222, %get3A_245 : vector<16xf32>
        %mul3A_247 = arith.constant 26 : i32
        %mul3A_248 = arith.muli %scan3A_56, %mul3A_247 : i32
        %add3A_249 = arith.constant 8 : i32
        %add3A_250 = arith.addi %mul3A_248, %add3A_249 : i32
        %get3A_251 = arith.index_cast %add3A_250 : i32 to index
        %get3A_252 = arith.constant 0 : index
        %get3A_253 = tpu.vector_load %arg7[%get3A_251, %get3A_252] {strides = array<i32>} : memref<416x64xf32, #tpu.memory_space<vmem>>, vector<1x16xf32>,
        %get3A_254 = vector.shape_cast %get3A_253 : vector<1x16xf32> to vector<16xf32>
        %add3A_255 = arith.addf %add3A_231, %get3A_254 : vector<16xf32>
        %get3A_256 = arith.index_cast %add3A_250 : i32 to index
        %get3A_257 = arith.constant 16 : index
        %get3A_258 = tpu.vector_load %arg7[%get3A_256, %get3A_257] {strides = array<i32>} : memref<416x64xf32, #tpu.memory_space<vmem>>, vector<1x16xf32>,
        %get3A_259 = vector.shape_cast %get3A_258 : vector<1x16xf32> to vector<16xf32>
        %add3A_260 = arith.addf %add3A_236, %get3A_259 : vector<16xf32>
        %get3A_261 = arith.index_cast %add3A_250 : i32 to index
        %get3A_262 = arith.constant 32 : index
        %get3A_263 = tpu.vector_load %arg7[%get3A_261, %get3A_262] {strides = array<i32>} : memref<416x64xf32, #tpu.memory_space<vmem>>, vector<1x16xf32>,
        %get3A_264 = vector.shape_cast %get3A_263 : vector<1x16xf32> to vector<16xf32>
        %add3A_265 = arith.addf %add3A_241, %get3A_264 : vector<16xf32>
        %get3A_266 = arith.index_cast %add3A_250 : i32 to index
        %get3A_267 = arith.constant 48 : index
        %get3A_268 = tpu.vector_load %arg7[%get3A_266, %get3A_267] {strides = array<i32>} : memref<416x64xf32, #tpu.memory_space<vmem>>, vector<1x16xf32>,
        %get3A_269 = vector.shape_cast %get3A_268 : vector<1x16xf32> to vector<16xf32>
        %add3A_270 = arith.addf %add3A_246, %get3A_269 : vector<16xf32>
        %mul3A_271 = arith.constant 26 : i32
        %mul3A_272 = arith.muli %scan3A_56, %mul3A_271 : i32
        %add3A_273 = arith.constant 9 : i32
        %add3A_274 = arith.addi %mul3A_272, %add3A_273 : i32
        %get3A_275 = arith.index_cast %add3A_274 : i32 to index
        %get3A_276 = arith.constant 0 : index
        %get3A_277 = tpu.vector_load %arg7[%get3A_275, %get3A_276] {strides = array<i32>} : memref<416x64xf32, #tpu.memory_space<vmem>>, vector<1x16xf32>,
        %get3A_278 = vector.shape_cast %get3A_277 : vector<1x16xf32> to vector<16xf32>
        %add3A_279 = arith.addf %add3A_255, %get3A_278 : vector<16xf32>
        %get3A_280 = arith.index_cast %add3A_274 : i32 to index
        %get3A_281 = arith.constant 16 : index
        %get3A_282 = tpu.vector_load %arg7[%get3A_280, %get3A_281] {strides = array<i32>} : memref<416x64xf32, #tpu.memory_space<vmem>>, vector<1x16xf32>,
        %get3A_283 = vector.shape_cast %get3A_282 : vector<1x16xf32> to vector<16xf32>
        %add3A_284 = arith.addf %add3A_260, %get3A_283 : vector<16xf32>
        %get3A_285 = arith.index_cast %add3A_274 : i32 to index
        %get3A_286 = arith.constant 32 : index
        %get3A_287 = tpu.vector_load %arg7[%get3A_285, %get3A_286] {strides = array<i32>} : memref<416x64xf32, #tpu.memory_space<vmem>>, vector<1x16xf32>,
        %get3A_288 = vector.shape_cast %get3A_287 : vector<1x16xf32> to vector<16xf32>
        %add3A_289 = arith.addf %add3A_265, %get3A_288 : vector<16xf32>
        %get3A_290 = arith.index_cast %add3A_274 : i32 to index
        %get3A_291 = arith.constant 48 : index
        %get3A_292 = tpu.vector_load %arg7[%get3A_290, %get3A_291] {strides = array<i32>} : memref<416x64xf32, #tpu.memory_space<vmem>>, vector<1x16xf32>,
        %get3A_293 = vector.shape_cast %get3A_292 : vector<1x16xf32> to vector<16xf32>
        %add3A_294 = arith.addf %add3A_270, %get3A_293 : vector<16xf32>
        %mul3A_295 = arith.constant 26 : i32
        %mul3A_296 = arith.muli %scan3A_56, %mul3A_295 : i32
        %add3A_297 = arith.constant 10 : i32
        %add3A_298 = arith.addi %mul3A_296, %add3A_297 : i32
        %get3A_299 = arith.index_cast %add3A_298 : i32 to index
        %get3A_300 = arith.constant 0 : index
        %get3A_301 = tpu.vector_load %arg7[%get3A_299, %get3A_300] {strides = array<i32>} : memref<416x64xf32, #tpu.memory_space<vmem>>, vector<1x16xf32>,
        %get3A_302 = vector.shape_cast %get3A_301 : vector<1x16xf32> to vector<16xf32>
        %add3A_303 = arith.addf %add3A_279, %get3A_302 : vector<16xf32>
        %get3A_304 = arith.index_cast %add3A_298 : i32 to index
        %get3A_305 = arith.constant 16 : index
        %get3A_306 = tpu.vector_load %arg7[%get3A_304, %get3A_305] {strides = array<i32>} : memref<416x64xf32, #tpu.memory_space<vmem>>, vector<1x16xf32>,
        %get3A_307 = vector.shape_cast %get3A_306 : vector<1x16xf32> to vector<16xf32>
        %add3A_308 = arith.addf %add3A_284, %get3A_307 : vector<16xf32>
        %get3A_309 = arith.index_cast %add3A_298 : i32 to index
        %get3A_310 = arith.constant 32 : index
        %get3A_311 = tpu.vector_load %arg7[%get3A_309, %get3A_310] {strides = array<i32>} : memref<416x64xf32, #tpu.memory_space<vmem>>, vector<1x16xf32>,
        %get3A_312 = vector.shape_cast %get3A_311 : vector<1x16xf32> to vector<16xf32>
        %add3A_313 = arith.addf %add3A_289, %get3A_312 : vector<16xf32>
        %get3A_314 = arith.index_cast %add3A_298 : i32 to index
        %get3A_315 = arith.constant 48 : index
        %get3A_316 = tpu.vector_load %arg7[%get3A_314, %get3A_315] {strides = array<i32>} : memref<416x64xf32, #tpu.memory_space<vmem>>, vector<1x16xf32>,
        %get3A_317 = vector.shape_cast %get3A_316 : vector<1x16xf32> to vector<16xf32>
        %add3A_318 = arith.addf %add3A_294, %get3A_317 : vector<16xf32>
        %mul3A_319 = arith.constant 26 : i32
        %mul3A_320 = arith.muli %scan3A_56, %mul3A_319 : i32
        %add3A_321 = arith.constant 11 : i32
        %add3A_322 = arith.addi %mul3A_320, %add3A_321 : i32
        %get3A_323 = arith.index_cast %add3A_322 : i32 to index
        %get3A_324 = arith.constant 0 : index
        %get3A_325 = tpu.vector_load %arg7[%get3A_323, %get3A_324] {strides = array<i32>} : memref<416x64xf32, #tpu.memory_space<vmem>>, vector<1x16xf32>,
        %get3A_326 = vector.shape_cast %get3A_325 : vector<1x16xf32> to vector<16xf32>
        %add3A_327 = arith.addf %add3A_303, %get3A_326 : vector<16xf32>
        %get3A_328 = arith.index_cast %add3A_322 : i32 to index
        %get3A_329 = arith.constant 16 : index
        %get3A_330 = tpu.vector_load %arg7[%get3A_328, %get3A_329] {strides = array<i32>} : memref<416x64xf32, #tpu.memory_space<vmem>>, vector<1x16xf32>,
        %get3A_331 = vector.shape_cast %get3A_330 : vector<1x16xf32> to vector<16xf32>
        %add3A_332 = arith.addf %add3A_308, %get3A_331 : vector<16xf32>
        %get3A_333 = arith.index_cast %add3A_322 : i32 to index
        %get3A_334 = arith.constant 32 : index
        %get3A_335 = tpu.vector_load %arg7[%get3A_333, %get3A_334] {strides = array<i32>} : memref<416x64xf32, #tpu.memory_space<vmem>>, vector<1x16xf32>,
        %get3A_336 = vector.shape_cast %get3A_335 : vector<1x16xf32> to vector<16xf32>
        %add3A_337 = arith.addf %add3A_313, %get3A_336 : vector<16xf32>
        %get3A_338 = arith.index_cast %add3A_322 : i32 to index
        %get3A_339 = arith.constant 48 : index
        %get3A_340 = tpu.vector_load %arg7[%get3A_338, %get3A_339] {strides = array<i32>} : memref<416x64xf32, #tpu.memory_space<vmem>>, vector<1x16xf32>,
        %get3A_341 = vector.shape_cast %get3A_340 : vector<1x16xf32> to vector<16xf32>
        %add3A_342 = arith.addf %add3A_318, %get3A_341 : vector<16xf32>
        %mul3A_343 = arith.constant 26 : i32
        %mul3A_344 = arith.muli %scan3A_56, %mul3A_343 : i32
        %add3A_345 = arith.constant 12 : i32
        %add3A_346 = arith.addi %mul3A_344, %add3A_345 : i32
        %get3A_347 = arith.index_cast %add3A_346 : i32 to index
        %get3A_348 = arith.constant 0 : index
        %get3A_349 = tpu.vector_load %arg7[%get3A_347, %get3A_348] {strides = array<i32>} : memref<416x64xf32, #tpu.memory_space<vmem>>, vector<1x16xf32>,
        %get3A_350 = vector.shape_cast %get3A_349 : vector<1x16xf32> to vector<16xf32>
        %add3A_351 = arith.addf %add3A_327, %get3A_350 : vector<16xf32>
        %get3A_352 = arith.index_cast %add3A_346 : i32 to index
        %get3A_353 = arith.constant 16 : index
        %get3A_354 = tpu.vector_load %arg7[%get3A_352, %get3A_353] {strides = array<i32>} : memref<416x64xf32, #tpu.memory_space<vmem>>, vector<1x16xf32>,
        %get3A_355 = vector.shape_cast %get3A_354 : vector<1x16xf32> to vector<16xf32>
        %add3A_356 = arith.addf %add3A_332, %get3A_355 : vector<16xf32>
        %get3A_357 = arith.index_cast %add3A_346 : i32 to index
        %get3A_358 = arith.constant 32 : index
        %get3A_359 = tpu.vector_load %arg7[%get3A_357, %get3A_358] {strides = array<i32>} : memref<416x64xf32, #tpu.memory_space<vmem>>, vector<1x16xf32>,
        %get3A_360 = vector.shape_cast %get3A_359 : vector<1x16xf32> to vector<16xf32>
        %add3A_361 = arith.addf %add3A_337, %get3A_360 : vector<16xf32>
        %get3A_362 = arith.index_cast %add3A_346 : i32 to index
        %get3A_363 = arith.constant 48 : index
        %get3A_364 = tpu.vector_load %arg7[%get3A_362, %get3A_363] {strides = array<i32>} : memref<416x64xf32, #tpu.memory_space<vmem>>, vector<1x16xf32>,
        %get3A_365 = vector.shape_cast %get3A_364 : vector<1x16xf32> to vector<16xf32>
        %add3A_366 = arith.addf %add3A_342, %get3A_365 : vector<16xf32>
        %mul3A_367 = arith.constant 26 : i32
        %mul3A_368 = arith.muli %scan3A_56, %mul3A_367 : i32
        %add3A_369 = arith.constant 13 : i32
        %add3A_370 = arith.addi %mul3A_368, %add3A_369 : i32
        %get3A_371 = arith.index_cast %add3A_370 : i32 to index
        %get3A_372 = arith.constant 0 : index
        %get3A_373 = tpu.vector_load %arg7[%get3A_371, %get3A_372] {strides = array<i32>} : memref<416x64xf32, #tpu.memory_space<vmem>>, vector<1x16xf32>,
        %get3A_374 = vector.shape_cast %get3A_373 : vector<1x16xf32> to vector<16xf32>
        %add3A_375 = arith.addf %add3A_351, %get3A_374 : vector<16xf32>
        %get3A_376 = arith.index_cast %add3A_370 : i32 to index
        %get3A_377 = arith.constant 16 : index
        %get3A_378 = tpu.vector_load %arg7[%get3A_376, %get3A_377] {strides = array<i32>} : memref<416x64xf32, #tpu.memory_space<vmem>>, vector<1x16xf32>,
        %get3A_379 = vector.shape_cast %get3A_378 : vector<1x16xf32> to vector<16xf32>
        %add3A_380 = arith.addf %add3A_356, %get3A_379 : vector<16xf32>
        %get3A_381 = arith.index_cast %add3A_370 : i32 to index
        %get3A_382 = arith.constant 32 : index
        %get3A_383 = tpu.vector_load %arg7[%get3A_381, %get3A_382] {strides = array<i32>} : memref<416x64xf32, #tpu.memory_space<vmem>>, vector<1x16xf32>,
        %get3A_384 = vector.shape_cast %get3A_383 : vector<1x16xf32> to vector<16xf32>
        %add3A_385 = arith.addf %add3A_361, %get3A_384 : vector<16xf32>
        %get3A_386 = arith.index_cast %add3A_370 : i32 to index
        %get3A_387 = arith.constant 48 : index
        %get3A_388 = tpu.vector_load %arg7[%get3A_386, %get3A_387] {strides = array<i32>} : memref<416x64xf32, #tpu.memory_space<vmem>>, vector<1x16xf32>,
        %get3A_389 = vector.shape_cast %get3A_388 : vector<1x16xf32> to vector<16xf32>
        %add3A_390 = arith.addf %add3A_366, %get3A_389 : vector<16xf32>
        %mul3A_391 = arith.constant 26 : i32
        %mul3A_392 = arith.muli %scan3A_56, %mul3A_391 : i32
        %add3A_393 = arith.constant 14 : i32
        %add3A_394 = arith.addi %mul3A_392, %add3A_393 : i32
        %get3A_395 = arith.index_cast %add3A_394 : i32 to index
        %get3A_396 = arith.constant 0 : index
        %get3A_397 = tpu.vector_load %arg7[%get3A_395, %get3A_396] {strides = array<i32>} : memref<416x64xf32, #tpu.memory_space<vmem>>, vector<1x16xf32>,
        %get3A_398 = vector.shape_cast %get3A_397 : vector<1x16xf32> to vector<16xf32>
        %add3A_399 = arith.addf %add3A_375, %get3A_398 : vector<16xf32>
        %get3A_400 = arith.index_cast %add3A_394 : i32 to index
        %get3A_401 = arith.constant 16 : index
        %get3A_402 = tpu.vector_load %arg7[%get3A_400, %get3A_401] {strides = array<i32>} : memref<416x64xf32, #tpu.memory_space<vmem>>, vector<1x16xf32>,
        %get3A_403 = vector.shape_cast %get3A_402 : vector<1x16xf32> to vector<16xf32>
        %add3A_404 = arith.addf %add3A_380, %get3A_403 : vector<16xf32>
        %get3A_405 = arith.index_cast %add3A_394 : i32 to index
        %get3A_406 = arith.constant 32 : index
        %get3A_407 = tpu.vector_load %arg7[%get3A_405, %get3A_406] {strides = array<i32>} : memref<416x64xf32, #tpu.memory_space<vmem>>, vector<1x16xf32>,
        %get3A_408 = vector.shape_cast %get3A_407 : vector<1x16xf32> to vector<16xf32>
        %add3A_409 = arith.addf %add3A_385, %get3A_408 : vector<16xf32>
        %get3A_410 = arith.index_cast %add3A_394 : i32 to index
        %get3A_411 = arith.constant 48 : index
        %get3A_412 = tpu.vector_load %arg7[%get3A_410, %get3A_411] {strides = array<i32>} : memref<416x64xf32, #tpu.memory_space<vmem>>, vector<1x16xf32>,
        %get3A_413 = vector.shape_cast %get3A_412 : vector<1x16xf32> to vector<16xf32>
        %add3A_414 = arith.addf %add3A_390, %get3A_413 : vector<16xf32>
        %mul3A_415 = arith.constant 26 : i32
        %mul3A_416 = arith.muli %scan3A_56, %mul3A_415 : i32
        %add3A_417 = arith.constant 15 : i32
        %add3A_418 = arith.addi %mul3A_416, %add3A_417 : i32
        %get3A_419 = arith.index_cast %add3A_418 : i32 to index
        %get3A_420 = arith.constant 0 : index
        %get3A_421 = tpu.vector_load %arg7[%get3A_419, %get3A_420] {strides = array<i32>} : memref<416x64xf32, #tpu.memory_space<vmem>>, vector<1x16xf32>,
        %get3A_422 = vector.shape_cast %get3A_421 : vector<1x16xf32> to vector<16xf32>
        %add3A_423 = arith.addf %add3A_399, %get3A_422 : vector<16xf32>
        %get3A_424 = arith.index_cast %add3A_418 : i32 to index
        %get3A_425 = arith.constant 16 : index
        %get3A_426 = tpu.vector_load %arg7[%get3A_424, %get3A_425] {strides = array<i32>} : memref<416x64xf32, #tpu.memory_space<vmem>>, vector<1x16xf32>,
        %get3A_427 = vector.shape_cast %get3A_426 : vector<1x16xf32> to vector<16xf32>
        %add3A_428 = arith.addf %add3A_404, %get3A_427 : vector<16xf32>
        %get3A_429 = arith.index_cast %add3A_418 : i32 to index
        %get3A_430 = arith.constant 32 : index
        %get3A_431 = tpu.vector_load %arg7[%get3A_429, %get3A_430] {strides = array<i32>} : memref<416x64xf32, #tpu.memory_space<vmem>>, vector<1x16xf32>,
        %get3A_432 = vector.shape_cast %get3A_431 : vector<1x16xf32> to vector<16xf32>
        %add3A_433 = arith.addf %add3A_409, %get3A_432 : vector<16xf32>
        %get3A_434 = arith.index_cast %add3A_418 : i32 to index
        %get3A_435 = arith.constant 48 : index
        %get3A_436 = tpu.vector_load %arg7[%get3A_434, %get3A_435] {strides = array<i32>} : memref<416x64xf32, #tpu.memory_space<vmem>>, vector<1x16xf32>,
        %get3A_437 = vector.shape_cast %get3A_436 : vector<1x16xf32> to vector<16xf32>
        %add3A_438 = arith.addf %add3A_414, %get3A_437 : vector<16xf32>
        %mul3A_439 = arith.constant 26 : i32
        %mul3A_440 = arith.muli %scan3A_56, %mul3A_439 : i32
        %add3A_441 = arith.constant 16 : i32
        %add3A_442 = arith.addi %mul3A_440, %add3A_441 : i32
        %get3A_443 = arith.index_cast %add3A_442 : i32 to index
        %get3A_444 = arith.constant 0 : index
        %get3A_445 = tpu.vector_load %arg7[%get3A_443, %get3A_444] {strides = array<i32>} : memref<416x64xf32, #tpu.memory_space<vmem>>, vector<1x16xf32>,
        %get3A_446 = vector.shape_cast %get3A_445 : vector<1x16xf32> to vector<16xf32>
        %add3A_447 = arith.addf %add3A_423, %get3A_446 : vector<16xf32>
        %get3A_448 = arith.index_cast %add3A_442 : i32 to index
        %get3A_449 = arith.constant 16 : index
        %get3A_450 = tpu.vector_load %arg7[%get3A_448, %get3A_449] {strides = array<i32>} : memref<416x64xf32, #tpu.memory_space<vmem>>, vector<1x16xf32>,
        %get3A_451 = vector.shape_cast %get3A_450 : vector<1x16xf32> to vector<16xf32>
        %add3A_452 = arith.addf %add3A_428, %get3A_451 : vector<16xf32>
        %get3A_453 = arith.index_cast %add3A_442 : i32 to index
        %get3A_454 = arith.constant 32 : index
        %get3A_455 = tpu.vector_load %arg7[%get3A_453, %get3A_454] {strides = array<i32>} : memref<416x64xf32, #tpu.memory_space<vmem>>, vector<1x16xf32>,
        %get3A_456 = vector.shape_cast %get3A_455 : vector<1x16xf32> to vector<16xf32>
        %add3A_457 = arith.addf %add3A_433, %get3A_456 : vector<16xf32>
        %get3A_458 = arith.index_cast %add3A_442 : i32 to index
        %get3A_459 = arith.constant 48 : index
        %get3A_460 = tpu.vector_load %arg7[%get3A_458, %get3A_459] {strides = array<i32>} : memref<416x64xf32, #tpu.memory_space<vmem>>, vector<1x16xf32>,
        %get3A_461 = vector.shape_cast %get3A_460 : vector<1x16xf32> to vector<16xf32>
        %add3A_462 = arith.addf %add3A_438, %get3A_461 : vector<16xf32>
        %mul3A_463 = arith.constant 26 : i32
        %mul3A_464 = arith.muli %scan3A_56, %mul3A_463 : i32
        %add3A_465 = arith.constant 17 : i32
        %add3A_466 = arith.addi %mul3A_464, %add3A_465 : i32
        %get3A_467 = arith.index_cast %add3A_466 : i32 to index
        %get3A_468 = arith.constant 0 : index
        %get3A_469 = tpu.vector_load %arg7[%get3A_467, %get3A_468] {strides = array<i32>} : memref<416x64xf32, #tpu.memory_space<vmem>>, vector<1x16xf32>,
        %get3A_470 = vector.shape_cast %get3A_469 : vector<1x16xf32> to vector<16xf32>
        %add3A_471 = arith.addf %add3A_447, %get3A_470 : vector<16xf32>
        %get3A_472 = arith.index_cast %add3A_466 : i32 to index
        %get3A_473 = arith.constant 16 : index
        %get3A_474 = tpu.vector_load %arg7[%get3A_472, %get3A_473] {strides = array<i32>} : memref<416x64xf32, #tpu.memory_space<vmem>>, vector<1x16xf32>,
        %get3A_475 = vector.shape_cast %get3A_474 : vector<1x16xf32> to vector<16xf32>
        %add3A_476 = arith.addf %add3A_452, %get3A_475 : vector<16xf32>
        %get3A_477 = arith.index_cast %add3A_466 : i32 to index
        %get3A_478 = arith.constant 32 : index
        %get3A_479 = tpu.vector_load %arg7[%get3A_477, %get3A_478] {strides = array<i32>} : memref<416x64xf32, #tpu.memory_space<vmem>>, vector<1x16xf32>,
        %get3A_480 = vector.shape_cast %get3A_479 : vector<1x16xf32> to vector<16xf32>
        %add3A_481 = arith.addf %add3A_457, %get3A_480 : vector<16xf32>
        %get3A_482 = arith.index_cast %add3A_466 : i32 to index
        %get3A_483 = arith.constant 48 : index
        %get3A_484 = tpu.vector_load %arg7[%get3A_482, %get3A_483] {strides = array<i32>} : memref<416x64xf32, #tpu.memory_space<vmem>>, vector<1x16xf32>,
        %get3A_485 = vector.shape_cast %get3A_484 : vector<1x16xf32> to vector<16xf32>
        %add3A_486 = arith.addf %add3A_462, %get3A_485 : vector<16xf32>
        %mul3A_487 = arith.constant 26 : i32
        %mul3A_488 = arith.muli %scan3A_56, %mul3A_487 : i32
        %add3A_489 = arith.constant 18 : i32
        %add3A_490 = arith.addi %mul3A_488, %add3A_489 : i32
        %get3A_491 = arith.index_cast %add3A_490 : i32 to index
        %get3A_492 = arith.constant 0 : index
        %get3A_493 = tpu.vector_load %arg7[%get3A_491, %get3A_492] {strides = array<i32>} : memref<416x64xf32, #tpu.memory_space<vmem>>, vector<1x16xf32>,
        %get3A_494 = vector.shape_cast %get3A_493 : vector<1x16xf32> to vector<16xf32>
        %add3A_495 = arith.addf %add3A_471, %get3A_494 : vector<16xf32>
        %get3A_496 = arith.index_cast %add3A_490 : i32 to index
        %get3A_497 = arith.constant 16 : index
        %get3A_498 = tpu.vector_load %arg7[%get3A_496, %get3A_497] {strides = array<i32>} : memref<416x64xf32, #tpu.memory_space<vmem>>, vector<1x16xf32>,
        %get3A_499 = vector.shape_cast %get3A_498 : vector<1x16xf32> to vector<16xf32>
        %add3A_500 = arith.addf %add3A_476, %get3A_499 : vector<16xf32>
        %get3A_501 = arith.index_cast %add3A_490 : i32 to index
        %get3A_502 = arith.constant 32 : index
        %get3A_503 = tpu.vector_load %arg7[%get3A_501, %get3A_502] {strides = array<i32>} : memref<416x64xf32, #tpu.memory_space<vmem>>, vector<1x16xf32>,
        %get3A_504 = vector.shape_cast %get3A_503 : vector<1x16xf32> to vector<16xf32>
        %add3A_505 = arith.addf %add3A_481, %get3A_504 : vector<16xf32>
        %get3A_506 = arith.index_cast %add3A_490 : i32 to index
        %get3A_507 = arith.constant 48 : index
        %get3A_508 = tpu.vector_load %arg7[%get3A_506, %get3A_507] {strides = array<i32>} : memref<416x64xf32, #tpu.memory_space<vmem>>, vector<1x16xf32>,
        %get3A_509 = vector.shape_cast %get3A_508 : vector<1x16xf32> to vector<16xf32>
        %add3A_510 = arith.addf %add3A_486, %get3A_509 : vector<16xf32>
        %mul3A_511 = arith.constant 26 : i32
        %mul3A_512 = arith.muli %scan3A_56, %mul3A_511 : i32
        %add3A_513 = arith.constant 19 : i32
        %add3A_514 = arith.addi %mul3A_512, %add3A_513 : i32
        %get3A_515 = arith.index_cast %add3A_514 : i32 to index
        %get3A_516 = arith.constant 0 : index
        %get3A_517 = tpu.vector_load %arg7[%get3A_515, %get3A_516] {strides = array<i32>} : memref<416x64xf32, #tpu.memory_space<vmem>>, vector<1x16xf32>,
        %get3A_518 = vector.shape_cast %get3A_517 : vector<1x16xf32> to vector<16xf32>
        %add3A_519 = arith.addf %add3A_495, %get3A_518 : vector<16xf32>
        %get3A_520 = arith.index_cast %add3A_514 : i32 to index
        %get3A_521 = arith.constant 16 : index
        %get3A_522 = tpu.vector_load %arg7[%get3A_520, %get3A_521] {strides = array<i32>} : memref<416x64xf32, #tpu.memory_space<vmem>>, vector<1x16xf32>,
        %get3A_523 = vector.shape_cast %get3A_522 : vector<1x16xf32> to vector<16xf32>
        %add3A_524 = arith.addf %add3A_500, %get3A_523 : vector<16xf32>
        %get3A_525 = arith.index_cast %add3A_514 : i32 to index
        %get3A_526 = arith.constant 32 : index
        %get3A_527 = tpu.vector_load %arg7[%get3A_525, %get3A_526] {strides = array<i32>} : memref<416x64xf32, #tpu.memory_space<vmem>>, vector<1x16xf32>,
        %get3A_528 = vector.shape_cast %get3A_527 : vector<1x16xf32> to vector<16xf32>
        %add3A_529 = arith.addf %add3A_505, %get3A_528 : vector<16xf32>
        %get3A_530 = arith.index_cast %add3A_514 : i32 to index
        %get3A_531 = arith.constant 48 : index
        %get3A_532 = tpu.vector_load %arg7[%get3A_530, %get3A_531] {strides = array<i32>} : memref<416x64xf32, #tpu.memory_space<vmem>>, vector<1x16xf32>,
        %get3A_533 = vector.shape_cast %get3A_532 : vector<1x16xf32> to vector<16xf32>
        %add3A_534 = arith.addf %add3A_510, %get3A_533 : vector<16xf32>
        %mul3A_535 = arith.constant 26 : i32
        %mul3A_536 = arith.muli %scan3A_56, %mul3A_535 : i32
        %add3A_537 = arith.constant 20 : i32
        %add3A_538 = arith.addi %mul3A_536, %add3A_537 : i32
        %get3A_539 = arith.index_cast %add3A_538 : i32 to index
        %get3A_540 = arith.constant 0 : index
        %get3A_541 = tpu.vector_load %arg7[%get3A_539, %get3A_540] {strides = array<i32>} : memref<416x64xf32, #tpu.memory_space<vmem>>, vector<1x16xf32>,
        %get3A_542 = vector.shape_cast %get3A_541 : vector<1x16xf32> to vector<16xf32>
        %add3A_543 = arith.addf %add3A_519, %get3A_542 : vector<16xf32>
        %get3A_544 = arith.index_cast %add3A_538 : i32 to index
        %get3A_545 = arith.constant 16 : index
        %get3A_546 = tpu.vector_load %arg7[%get3A_544, %get3A_545] {strides = array<i32>} : memref<416x64xf32, #tpu.memory_space<vmem>>, vector<1x16xf32>,
        %get3A_547 = vector.shape_cast %get3A_546 : vector<1x16xf32> to vector<16xf32>
        %add3A_548 = arith.addf %add3A_524, %get3A_547 : vector<16xf32>
        %get3A_549 = arith.index_cast %add3A_538 : i32 to index
        %get3A_550 = arith.constant 32 : index
        %get3A_551 = tpu.vector_load %arg7[%get3A_549, %get3A_550] {strides = array<i32>} : memref<416x64xf32, #tpu.memory_space<vmem>>, vector<1x16xf32>,
        %get3A_552 = vector.shape_cast %get3A_551 : vector<1x16xf32> to vector<16xf32>
        %add3A_553 = arith.addf %add3A_529, %get3A_552 : vector<16xf32>
        %get3A_554 = arith.index_cast %add3A_538 : i32 to index
        %get3A_555 = arith.constant 48 : index
        %get3A_556 = tpu.vector_load %arg7[%get3A_554, %get3A_555] {strides = array<i32>} : memref<416x64xf32, #tpu.memory_space<vmem>>, vector<1x16xf32>,
        %get3A_557 = vector.shape_cast %get3A_556 : vector<1x16xf32> to vector<16xf32>
        %add3A_558 = arith.addf %add3A_534, %get3A_557 : vector<16xf32>
        %mul3A_559 = arith.constant 26 : i32
        %mul3A_560 = arith.muli %scan3A_56, %mul3A_559 : i32
        %add3A_561 = arith.constant 21 : i32
        %add3A_562 = arith.addi %mul3A_560, %add3A_561 : i32
        %get3A_563 = arith.index_cast %add3A_562 : i32 to index
        %get3A_564 = arith.constant 0 : index
        %get3A_565 = tpu.vector_load %arg7[%get3A_563, %get3A_564] {strides = array<i32>} : memref<416x64xf32, #tpu.memory_space<vmem>>, vector<1x16xf32>,
        %get3A_566 = vector.shape_cast %get3A_565 : vector<1x16xf32> to vector<16xf32>
        %add3A_567 = arith.addf %add3A_543, %get3A_566 : vector<16xf32>
        %get3A_568 = arith.index_cast %add3A_562 : i32 to index
        %get3A_569 = arith.constant 16 : index
        %get3A_570 = tpu.vector_load %arg7[%get3A_568, %get3A_569] {strides = array<i32>} : memref<416x64xf32, #tpu.memory_space<vmem>>, vector<1x16xf32>,
        %get3A_571 = vector.shape_cast %get3A_570 : vector<1x16xf32> to vector<16xf32>
        %add3A_572 = arith.addf %add3A_548, %get3A_571 : vector<16xf32>
        %get3A_573 = arith.index_cast %add3A_562 : i32 to index
        %get3A_574 = arith.constant 32 : index
        %get3A_575 = tpu.vector_load %arg7[%get3A_573, %get3A_574] {strides = array<i32>} : memref<416x64xf32, #tpu.memory_space<vmem>>, vector<1x16xf32>,
        %get3A_576 = vector.shape_cast %get3A_575 : vector<1x16xf32> to vector<16xf32>
        %add3A_577 = arith.addf %add3A_553, %get3A_576 : vector<16xf32>
        %get3A_578 = arith.index_cast %add3A_562 : i32 to index
        %get3A_579 = arith.constant 48 : index
        %get3A_580 = tpu.vector_load %arg7[%get3A_578, %get3A_579] {strides = array<i32>} : memref<416x64xf32, #tpu.memory_space<vmem>>, vector<1x16xf32>,
        %get3A_581 = vector.shape_cast %get3A_580 : vector<1x16xf32> to vector<16xf32>
        %add3A_582 = arith.addf %add3A_558, %get3A_581 : vector<16xf32>
        %mul3A_583 = arith.constant 26 : i32
        %mul3A_584 = arith.muli %scan3A_56, %mul3A_583 : i32
        %add3A_585 = arith.constant 22 : i32
        %add3A_586 = arith.addi %mul3A_584, %add3A_585 : i32
        %get3A_587 = arith.index_cast %add3A_586 : i32 to index
        %get3A_588 = arith.constant 0 : index
        %get3A_589 = tpu.vector_load %arg7[%get3A_587, %get3A_588] {strides = array<i32>} : memref<416x64xf32, #tpu.memory_space<vmem>>, vector<1x16xf32>,
        %get3A_590 = vector.shape_cast %get3A_589 : vector<1x16xf32> to vector<16xf32>
        %add3A_591 = arith.addf %add3A_567, %get3A_590 : vector<16xf32>
        %get3A_592 = arith.index_cast %add3A_586 : i32 to index
        %get3A_593 = arith.constant 16 : index
        %get3A_594 = tpu.vector_load %arg7[%get3A_592, %get3A_593] {strides = array<i32>} : memref<416x64xf32, #tpu.memory_space<vmem>>, vector<1x16xf32>,
        %get3A_595 = vector.shape_cast %get3A_594 : vector<1x16xf32> to vector<16xf32>
        %add3A_596 = arith.addf %add3A_572, %get3A_595 : vector<16xf32>
        %get3A_597 = arith.index_cast %add3A_586 : i32 to index
        %get3A_598 = arith.constant 32 : index
        %get3A_599 = tpu.vector_load %arg7[%get3A_597, %get3A_598] {strides = array<i32>} : memref<416x64xf32, #tpu.memory_space<vmem>>, vector<1x16xf32>,
        %get3A_600 = vector.shape_cast %get3A_599 : vector<1x16xf32> to vector<16xf32>
        %add3A_601 = arith.addf %add3A_577, %get3A_600 : vector<16xf32>
        %get3A_602 = arith.index_cast %add3A_586 : i32 to index
        %get3A_603 = arith.constant 48 : index
        %get3A_604 = tpu.vector_load %arg7[%get3A_602, %get3A_603] {strides = array<i32>} : memref<416x64xf32, #tpu.memory_space<vmem>>, vector<1x16xf32>,
        %get3A_605 = vector.shape_cast %get3A_604 : vector<1x16xf32> to vector<16xf32>
        %add3A_606 = arith.addf %add3A_582, %get3A_605 : vector<16xf32>
        %mul3A_607 = arith.constant 26 : i32
        %mul3A_608 = arith.muli %scan3A_56, %mul3A_607 : i32
        %add3A_609 = arith.constant 23 : i32
        %add3A_610 = arith.addi %mul3A_608, %add3A_609 : i32
        %get3A_611 = arith.index_cast %add3A_610 : i32 to index
        %get3A_612 = arith.constant 0 : index
        %get3A_613 = tpu.vector_load %arg7[%get3A_611, %get3A_612] {strides = array<i32>} : memref<416x64xf32, #tpu.memory_space<vmem>>, vector<1x16xf32>,
        %get3A_614 = vector.shape_cast %get3A_613 : vector<1x16xf32> to vector<16xf32>
        %add3A_615 = arith.addf %add3A_591, %get3A_614 : vector<16xf32>
        %get3A_616 = arith.index_cast %add3A_610 : i32 to index
        %get3A_617 = arith.constant 16 : index
        %get3A_618 = tpu.vector_load %arg7[%get3A_616, %get3A_617] {strides = array<i32>} : memref<416x64xf32, #tpu.memory_space<vmem>>, vector<1x16xf32>,
        %get3A_619 = vector.shape_cast %get3A_618 : vector<1x16xf32> to vector<16xf32>
        %add3A_620 = arith.addf %add3A_596, %get3A_619 : vector<16xf32>
        %get3A_621 = arith.index_cast %add3A_610 : i32 to index
        %get3A_622 = arith.constant 32 : index
        %get3A_623 = tpu.vector_load %arg7[%get3A_621, %get3A_622] {strides = array<i32>} : memref<416x64xf32, #tpu.memory_space<vmem>>, vector<1x16xf32>,
        %get3A_624 = vector.shape_cast %get3A_623 : vector<1x16xf32> to vector<16xf32>
        %add3A_625 = arith.addf %add3A_601, %get3A_624 : vector<16xf32>
        %get3A_626 = arith.index_cast %add3A_610 : i32 to index
        %get3A_627 = arith.constant 48 : index
        %get3A_628 = tpu.vector_load %arg7[%get3A_626, %get3A_627] {strides = array<i32>} : memref<416x64xf32, #tpu.memory_space<vmem>>, vector<1x16xf32>,
        %get3A_629 = vector.shape_cast %get3A_628 : vector<1x16xf32> to vector<16xf32>
        %add3A_630 = arith.addf %add3A_606, %get3A_629 : vector<16xf32>
        %mul3A_631 = arith.constant 26 : i32
        %mul3A_632 = arith.muli %scan3A_56, %mul3A_631 : i32
        %add3A_633 = arith.constant 24 : i32
        %add3A_634 = arith.addi %mul3A_632, %add3A_633 : i32
        %get3A_635 = arith.index_cast %add3A_634 : i32 to index
        %get3A_636 = arith.constant 0 : index
        %get3A_637 = tpu.vector_load %arg7[%get3A_635, %get3A_636] {strides = array<i32>} : memref<416x64xf32, #tpu.memory_space<vmem>>, vector<1x16xf32>,
        %get3A_638 = vector.shape_cast %get3A_637 : vector<1x16xf32> to vector<16xf32>
        %add3A_639 = arith.addf %add3A_615, %get3A_638 : vector<16xf32>
        %get3A_640 = arith.index_cast %add3A_634 : i32 to index
        %get3A_641 = arith.constant 16 : index
        %get3A_642 = tpu.vector_load %arg7[%get3A_640, %get3A_641] {strides = array<i32>} : memref<416x64xf32, #tpu.memory_space<vmem>>, vector<1x16xf32>,
        %get3A_643 = vector.shape_cast %get3A_642 : vector<1x16xf32> to vector<16xf32>
        %add3A_644 = arith.addf %add3A_620, %get3A_643 : vector<16xf32>
        %get3A_645 = arith.index_cast %add3A_634 : i32 to index
        %get3A_646 = arith.constant 32 : index
        %get3A_647 = tpu.vector_load %arg7[%get3A_645, %get3A_646] {strides = array<i32>} : memref<416x64xf32, #tpu.memory_space<vmem>>, vector<1x16xf32>,
        %get3A_648 = vector.shape_cast %get3A_647 : vector<1x16xf32> to vector<16xf32>
        %add3A_649 = arith.addf %add3A_625, %get3A_648 : vector<16xf32>
        %get3A_650 = arith.index_cast %add3A_634 : i32 to index
        %get3A_651 = arith.constant 48 : index
        %get3A_652 = tpu.vector_load %arg7[%get3A_650, %get3A_651] {strides = array<i32>} : memref<416x64xf32, #tpu.memory_space<vmem>>, vector<1x16xf32>,
        %get3A_653 = vector.shape_cast %get3A_652 : vector<1x16xf32> to vector<16xf32>
        %add3A_654 = arith.addf %add3A_630, %get3A_653 : vector<16xf32>
        %mul3A_655 = arith.constant 26 : i32
        %mul3A_656 = arith.muli %scan3A_56, %mul3A_655 : i32
        %add3A_657 = arith.constant 25 : i32
        %add3A_658 = arith.addi %mul3A_656, %add3A_657 : i32
        %get3A_659 = arith.index_cast %add3A_658 : i32 to index
        %get3A_660 = arith.constant 0 : index
        %get3A_661 = tpu.vector_load %arg7[%get3A_659, %get3A_660] {strides = array<i32>} : memref<416x64xf32, #tpu.memory_space<vmem>>, vector<1x16xf32>,
        %get3A_662 = vector.shape_cast %get3A_661 : vector<1x16xf32> to vector<16xf32>
        %add3A_663 = arith.addf %add3A_639, %get3A_662 : vector<16xf32>
        %get3A_664 = arith.index_cast %add3A_658 : i32 to index
        %get3A_665 = arith.constant 16 : index
        %get3A_666 = tpu.vector_load %arg7[%get3A_664, %get3A_665] {strides = array<i32>} : memref<416x64xf32, #tpu.memory_space<vmem>>, vector<1x16xf32>,
        %get3A_667 = vector.shape_cast %get3A_666 : vector<1x16xf32> to vector<16xf32>
        %add3A_668 = arith.addf %add3A_644, %get3A_667 : vector<16xf32>
        %get3A_669 = arith.index_cast %add3A_658 : i32 to index
        %get3A_670 = arith.constant 32 : index
        %get3A_671 = tpu.vector_load %arg7[%get3A_669, %get3A_670] {strides = array<i32>} : memref<416x64xf32, #tpu.memory_space<vmem>>, vector<1x16xf32>,
        %get3A_672 = vector.shape_cast %get3A_671 : vector<1x16xf32> to vector<16xf32>
        %add3A_673 = arith.addf %add3A_649, %get3A_672 : vector<16xf32>
        %get3A_674 = arith.index_cast %add3A_658 : i32 to index
        %get3A_675 = arith.constant 48 : index
        %get3A_676 = tpu.vector_load %arg7[%get3A_674, %get3A_675] {strides = array<i32>} : memref<416x64xf32, #tpu.memory_space<vmem>>, vector<1x16xf32>,
        %get3A_677 = vector.shape_cast %get3A_676 : vector<1x16xf32> to vector<16xf32>
        %add3A_678 = arith.addf %add3A_654, %get3A_677 : vector<16xf32>
        %mul3A_679 = arith.constant 0.0384615399 : f32
        %mul3A_680 = vector.broadcast %mul3A_679 : f32 to vector<16xf32>
        %mul3A_681 = arith.mulf %add3A_663, %mul3A_680 : vector<16xf32>
        %swap3A = arith.index_cast %add3A_59 : i32 to index
        %swap3A_682 = arith.constant 0 : index
        %swap3A_683 = tpu.vector_load %arg8[%swap3A, %swap3A_682] {strides = array<i32>} : memref<512x64xf32, #tpu.memory_space<vmem>>, vector<1x16xf32>,
        %swap3A_684 = vector.shape_cast %swap3A_683 : vector<1x16xf32> to vector<16xf32>
        %swap3A_685 = vector.shape_cast %mul3A_681 : vector<16xf32> to vector<1x16xf32>
        tpu.vector_store %arg8[%swap3A, %swap3A_682], %swap3A_685 {strides = array<i32>} : memref<512x64xf32, #tpu.memory_space<vmem>>, vector<1x16xf32>,
        %mul3A_686 = arith.constant 0.0384615399 : f32
        %mul3A_687 = vector.broadcast %mul3A_686 : f32 to vector<16xf32>
        %mul3A_688 = arith.mulf %add3A_668, %mul3A_687 : vector<16xf32>
        %swap3A_689 = arith.index_cast %add3A_59 : i32 to index
        %swap3A_690 = arith.constant 16 : index
        %swap3A_691 = tpu.vector_load %arg8[%swap3A_689, %swap3A_690] {strides = array<i32>} : memref<512x64xf32, #tpu.memory_space<vmem>>, vector<1x16xf32>,
        %swap3A_692 = vector.shape_cast %swap3A_691 : vector<1x16xf32> to vector<16xf32>
        %swap3A_693 = vector.shape_cast %mul3A_688 : vector<16xf32> to vector<1x16xf32>
        tpu.vector_store %arg8[%swap3A_689, %swap3A_690], %swap3A_693 {strides = array<i32>} : memref<512x64xf32, #tpu.memory_space<vmem>>, vector<1x16xf32>,
        %mul3A_694 = arith.constant 0.0384615399 : f32
        %mul3A_695 = vector.broadcast %mul3A_694 : f32 to vector<16xf32>
        %mul3A_696 = arith.mulf %add3A_673, %mul3A_695 : vector<16xf32>
        %swap3A_697 = arith.index_cast %add3A_59 : i32 to index
        %swap3A_698 = arith.constant 32 : index
        %swap3A_699 = tpu.vector_load %arg8[%swap3A_697, %swap3A_698] {strides = array<i32>} : memref<512x64xf32, #tpu.memory_space<vmem>>, vector<1x16xf32>,
        %swap3A_700 = vector.shape_cast %swap3A_699 : vector<1x16xf32> to vector<16xf32>
        %swap3A_701 = vector.shape_cast %mul3A_696 : vector<16xf32> to vector<1x16xf32>
        tpu.vector_store %arg8[%swap3A_697, %swap3A_698], %swap3A_701 {strides = array<i32>} : memref<512x64xf32, #tpu.memory_space<vmem>>, vector<1x16xf32>,
        %mul3A_702 = arith.constant 0.0384615399 : f32
        %mul3A_703 = vector.broadcast %mul3A_702 : f32 to vector<16xf32>
        %mul3A_704 = arith.mulf %add3A_678, %mul3A_703 : vector<16xf32>
        %swap3A_705 = arith.index_cast %add3A_59 : i32 to index
        %swap3A_706 = arith.constant 48 : index
        %swap3A_707 = tpu.vector_load %arg8[%swap3A_705, %swap3A_706] {strides = array<i32>} : memref<512x64xf32, #tpu.memory_space<vmem>>, vector<1x16xf32>,
        %swap3A_708 = vector.shape_cast %swap3A_707 : vector<1x16xf32> to vector<16xf32>
        %swap3A_709 = vector.shape_cast %mul3A_704 : vector<16xf32> to vector<1x16xf32>
        tpu.vector_store %arg8[%swap3A_705, %swap3A_706], %swap3A_709 {strides = array<i32>} : memref<512x64xf32, #tpu.memory_space<vmem>>, vector<1x16xf32>,
      }
      %scan3A_50 = arith.constant 16 : i32
      %lt3A_51 = arith.constant 15 : i32
      %lt3A_52 = arith.cmpi slt, %scan3A_19, %lt3A_51 : i32
      %convert_element_type3A_53 = arith.extui %lt3A_52 : i1 to i32
      %cond3A_54 = arith.constant 0 : i32
      %cond3A_55 = arith.cmpi ne, %convert_element_type3A_53, %cond3A_54 : i32
      scf.if %cond3A_55 {
        %add3A_56 = arith.constant 2 : i32
        %add3A_57 = arith.addi %add3A_25, %add3A_56 : i32
        %mul3A_58 = arith.constant 416 : i32
        %mul3A_59 = arith.muli %add3A_57, %mul3A_58 : i32
        %dma_start3A_60 = tpu.memref_slice %arg5[%mul3A_59] : memref<13312xi32, #tpu.memory_space<vmem>> -> memref<416xi32, #tpu.memory_space<vmem>>
        %dma_start3A_61 = arith.constant 0 : i32
        %dma_start3A_62 = arith.constant 0 : i32
        %dma_start3A_63 = tpu.memref_slice %arg2[%dma_start3A_61, %dma_start3A_62] : memref<2600000x64xf32, #tpu.memory_space<hbm>> -> memref<2600000x64xf32, #tpu.memory_space<hbm>>
        tpu.enqueue_indirect_dma source(%dma_start3A_63 : memref<2600000x64xf32, #tpu.memory_space<hbm>>) target(%arg7 : memref<416x64xf32, #tpu.memory_space<vmem>>) offsets(%dma_start3A_60 : memref<416xi32, #tpu.memory_space<vmem>>) semaphore(%arg10 : memref<!tpu.dma_semaphore, #tpu.memory_space<semaphore_mem>>)
      } else {
      }
    }
    %scan3A_18 = arith.constant 16 : i32
    "tpu.region"() ({
      %run_scoped3A = tpu.sem_alloc : memref<!tpu.dma_semaphore, #tpu.memory_space<semaphore_mem>>
      %dma_start3A_19 = arith.constant 0 : i32
      %dma_start3A_20 = tpu.memref_slice %arg4[%mul3A_2, %dma_start3A_19] : memref<16384x64xf32, #tpu.memory_space<hbm>> -> memref<512x64xf32, #tpu.memory_space<hbm>>
      %dma_start3A_21 = arith.constant 0 : i32
      %dma_start3A_22 = tpu.memref_slice %arg4[%mul3A_2, %dma_start3A_21] : memref<16384x64xf32, #tpu.memory_space<hbm>> -> memref<512x64xf32, #tpu.memory_space<hbm>>
      tpu.enqueue_dma source(%arg8 : memref<512x64xf32, #tpu.memory_space<vmem>>) target(%dma_start3A_22 : memref<512x64xf32, #tpu.memory_space<hbm>>) target_semaphore(%run_scoped3A : memref<!tpu.dma_semaphore, #tpu.memory_space<semaphore_mem>>)
      %dma_wait3A = arith.constant 0 : i32
      %dma_wait3A_23 = tpu.memref_slice %arg4[%mul3A_2, %dma_wait3A] : memref<16384x64xf32, #tpu.memory_space<hbm>> -> memref<512x64xf32, #tpu.memory_space<hbm>>
      %dma_wait3A_24 = arith.constant 0 : i32
      %dma_wait3A_25 = tpu.memref_slice %arg4[%mul3A_2, %dma_wait3A_24] : memref<16384x64xf32, #tpu.memory_space<hbm>> -> memref<512x64xf32, #tpu.memory_space<hbm>>
      tpu.wait_dma2 semaphore(%run_scoped3A : memref<!tpu.dma_semaphore, #tpu.memory_space<semaphore_mem>>) src(%arg8 : memref<512x64xf32, #tpu.memory_space<vmem>>) dst(%dma_wait3A_25 : memref<512x64xf32, #tpu.memory_space<hbm>>)
      tpu.yield
    }) : () -> ()
    return
  }
}

</mosaic_0001>

<sc_bundles>
// kernel: _run.3.cloned.1.call-start
scs
__scs_entry_jumppad:
0x0: {  	(pc) =	sbr.rel $0x88, $3  }
0x1: {  	(tag) =	ssettag $0x0;
	lr =	simm.s32 $0x1  }
0x2: {  	[smem:$0x3F9F] =	sst lr;
	_ =	strace $0xD0000000  }
0x3: {  	_ = 	snop  }
0x4: {  	_ = 	snop  }
0x5: {  	_ = 	snop  }
0x6: {  	_ = 	snop  }
0x7: {  	_ = 	snop  }
__scs_overlays_trampoline_lowered:
0x8: {  	[smem:$0x3FAE] =	sst s0  }
0x9: {  	[smem:$0x3FAF] =	sst s1  }
0xa: {  	[smem:$0x3FB0] =	sst s2  }
0xb: {  	[smem:$0x3FB1] =	sst s3  }
0xc: {  	[smem:$0x3FB2] =	sst s4  }
0xd: {  	[smem:$0x3FB3] =	sst s5  }
0xe: {  	[smem:$0x3FB4] =	sst s6  }
0xf: {  	[smem:$0x3FB5] =	sst s7  }
0x10: {  	[smem:$0x3FB6] =	sst s8  }
0x11: {  	[smem:$0x3FB7] =	sst s9;
	s0 =	simm.s32 @!p0 $0x0  }
0x12: {  	s1 =	sld [smem:$0x3F9D];
	s0 =	simm.s32 @p0 $0x1  }
0x13: {  	[smem:$0x3FB8] =	sst s0;
	s0 =	simm.s32 @!p1 $0x0  }
0x14: {  	s2 =	sld [smem:$0x3F9C];
	s0 =	simm.s32 @p1 $0x1  }
0x15: {  	[smem:$0x3FB9] =	sst s0;
	s0 =	simm.s32 @!p2 $0x0  }
0x16: {  	s3 =	sld [smem:$0x3FDB];
	s0 =	simm.s32 @p2 $0x1  }
0x17: {  	s4 =	simm.s32 $0x1BF5;
	[smem:$0x3FBB] =	sst s0  }
0x18: {  	s0 =	sld [smem:$0x3F9E];
	_ =	swait.ge [sflag:s4], $0x0  }
0x19: {  	s7 =	sld [smem:$0x3F9F]  }
0x1a: {  	s8 =	sadd.s32 $0xFFFFE003, lr  }
0x1b: {  	s9 =	sadd.s32 $0xFFFFFEF7, lr;
	s5 =	simm.s32 $0xFFFFFFFF;
	p2 =	slt.u32 s8, $0xFFFFF086  }
0x1c: {  	p1 =	slt.u32 s9, $0xF7A;
	s5 =	simm.s32 @!p2 $0x0  }
0x1d: {  	s5 =	simm.s32 @p1 $0x1;
	p0 =	seq.s32 s7, s2  }
0x1e: {  	s7 =	smul.u32 @!p0 $0xF7A, s2;
	p2 =	seq.s32 @!p0 s5, $0x0  }
0x1f: {  	s9 =	smul.u32 $0xF7A, s1;
	s8 =	simm.s32 @!p0 $0x1BF5;
	p2 =	por !p2, p0  }
0x20: {  	[sflag:s8] =	ssyncset.s32 @!p0 $0xFFFFF086;
	s6 =	sadd.s32 @!p0 s3, s7;
	s7 =	simm.s32 @!p0 $0x108  }
0x21: {  	s3 =	sadd.s32 s3, s9;
	s6 =	sadd.s32 @!p0 $0x88, s6;
	s7 =	simm.s32 @p2 $0x1082  }
0x22: {  	[simem:s7], [sflag:s8] =	dma.local @!p0 [hbm:s6], $0xF7A  }
0x23: {  	s9 =	sor.u32 $0xD0000000, s2;
	s6 =	simm.s32 $0x108;
	_ =	swait.ge @!p0 [sflag:s8], $0x0  }
0x24: {  	s3 =	sadd.s32 $0x88, s3;
	s6 =	simm.s32 @!p1 $0x1082;
	[sflag:s4] =	ssyncset.s32 $0xFFFFF086  }
0x25: {  	[simem:s6], [sflag:s4] =	dma.local [hbm:s3], $0xF7A  }
0x26: {  	[smem:$0x3F9F] =	sst s1;
	(tag) =	ssettag s2;
	_ =	strace s9  }
0x27: {  	s1 =	sld [smem:$0x3FAF]  }
0x28: {  	s2 =	sld [smem:$0x3FB0]  }
0x29: {  	s4 =	sld [smem:$0x3FB2]  }
0x2a: {  	p0 =	seq.s32 s5, $0x0;
	s5 =	sld [smem:$0x3FB3]  }
0x2b: {  	s6 =	sld [smem:$0x3FB4]  }
0x2c: {  	s7 =	sld [smem:$0x3FB5]  }
0x2d: {  	s3 =	simm.s32 $0x108;
	s8 =	sld [smem:$0x3FB6]  }
0x2e: {  	s3 =	simm.s32 @!p0 $0x1082;
	s9 =	sld [smem:$0x3FB7]  }
0x2f: {  	lr =	sadd.s32 s0, s3;
	s0 =	sld [smem:$0x3FAE]  }
0x30: {  	s3 =	sld [smem:$0x3FB1]  }
0x31: {  	[smem:$0x3FBA] =	sst s10  }
0x32: {  	s10 =	sld [smem:$0x3FB8];
	_ =	sdelay $0x3  }
0x33: {  	p0 =	seq.s32 s10, $0x1;
	s10 =	sld [smem:$0x3FBA];
	_ =	sdelay $0x3  }
0x34: {  	[smem:$0x3FBA] =	sst s10  }
0x35: {  	s10 =	sld [smem:$0x3FB9];
	_ =	sdelay $0x3  }
0x36: {  	p1 =	seq.s32 s10, $0x1;
	s10 =	sld [smem:$0x3FBA];
	_ =	sdelay $0x3  }
0x37: {  	[smem:$0x3FBA] =	sst s10  }
0x38: {  	s10 =	sld [smem:$0x3FBB]  }
0x39: {  	_ = 	snop;
	(pc) =	sbr.ind lr, $3  }
0x3a: {  	_ = 	snop  }
0x3b: {  	_ = 	snop  }
0x3c: {  	p2 =	seq.s32 s10, $0x1;
	s10 =	sld [smem:$0x3FBA]  }
0x3d: {  	_ =	shalt  }
0x3e: {  	_ =	shalt  }
0x3f: {  	_ =	shalt  }
0x40: {  	_ =	shalt  }
0x41: {  	_ =	shalt  }
0x42: {  	_ =	shalt  }
0x43: {  	_ =	shalt  }
0x44: {  	_ =	shalt  }
0x45: {  	_ =	shalt  }
0x46: {  	_ =	shalt  }
0x47: {  	_ =	shalt  }
0x48: {  	_ =	shalt  }
0x49: {  	_ =	shalt  }
0x4a: {  	_ =	shalt  }
0x4b: {  	_ =	shalt  }
0x4c: {  	_ =	shalt  }
0x4d: {  	_ =	shalt  }
0x4e: {  	_ =	shalt  }
0x4f: {  	_ =	shalt  }
0x50: {  	_ =	shalt  }
0x51: {  	_ =	shalt  }
0x52: {  	_ =	shalt  }
0x53: {  	_ =	shalt  }
0x54: {  	_ =	shalt  }
0x55: {  	_ =	shalt  }
0x56: {  	_ =	shalt  }
0x57: {  	_ =	shalt  }
0x58: {  	_ =	shalt  }
0x59: {  	_ =	shalt  }
0x5a: {  	_ =	shalt  }
0x5b: {  	_ =	shalt  }
0x5c: {  	_ =	shalt  }
0x5d: {  	_ =	shalt  }
0x5e: {  	_ =	shalt  }
0x5f: {  	_ =	shalt  }
0x60: {  	_ =	shalt  }
0x61: {  	_ =	shalt  }
0x62: {  	_ =	shalt  }
0x63: {  	_ =	shalt  }
0x64: {  	_ =	shalt  }
0x65: {  	_ =	shalt  }
0x66: {  	_ =	shalt  }
0x67: {  	_ =	shalt  }
0x68: {  	_ =	shalt  }
0x69: {  	_ =	shalt  }
0x6a: {  	_ =	shalt  }
0x6b: {  	_ =	shalt  }
0x6c: {  	_ =	shalt  }
0x6d: {  	_ =	shalt  }
0x6e: {  	_ =	shalt  }
0x6f: {  	_ =	shalt  }
0x70: {  	_ =	shalt  }
0x71: {  	_ =	shalt  }
0x72: {  	_ =	shalt  }
0x73: {  	_ =	shalt  }
0x74: {  	_ =	shalt  }
0x75: {  	_ =	shalt  }
0x76: {  	_ =	shalt  }
0x77: {  	_ =	shalt  }
0x78: {  	_ =	shalt  }
0x79: {  	_ =	shalt  }
0x7a: {  	_ =	shalt  }
0x7b: {  	_ =	shalt  }
0x7c: {  	_ =	shalt  }
0x7d: {  	_ =	shalt  }
0x7e: {  	_ =	shalt  }
0x7f: {  	_ =	shalt  }
0x80: {  	_ =	shalt  }
0x81: {  	_ =	shalt  }
0x82: {  	_ =	shalt  }
0x83: {  	_ =	shalt  }
0x84: {  	_ =	shalt  }
0x85: {  	_ =	shalt  }
0x86: {  	_ =	shalt  }
0x87: {  	_ =	shalt  }
.Lfunc_end0:
.L_simem_size_0:
called_computation_lowered:
.L_overlay_start_0:
0x88: {  	s2 =	sld [smem:$0x3FD9]  }
0x89: {  	s3 =	sld [smem:$0x3FFE];
	_ =	sdelay $0x1  }
0x8a: {  	s1 =	srdreg.scid  }
0x8b: {  	s0 =	sand.u32 $0x1, s1  }
0x8c: {  	s17 =	sshll.u32 s0, $0xA;
	s2 =	sadd.s32 s3, s2  }
0x8d: {  	s2 =	sadd.s32 s2, s17  }
0x8e: {  	[smem:$0x3FC6] =	sst s2  }
0x8f: {  	_ = 	snop  }
0x90: {  	s2 =	sld [smem:$0x3FC8]  }
0x91: {  	s18 =	sld [smem:$0x3FD0];
	(tm) =	ssettm $0x1  }
0x92: {  	s4 =	sld [smem:$0x3FFB];
	_ =	sdelay $0x3  }
0x93: {  	_ =	strace s4  }
0x94: {  	s4 =	sld [smem:$0x3FFC];
	_ =	sdelay $0x3  }
0x95: {  	_ =	strace s4  }
0x96: {  	s4 =	sld [smem:$0x3FFD];
	_ =	sdelay $0x3  }
0x97: {  	_ =	strace s4  }
0x98: {  	_ =	strace $0x8FFFFFFF  }
0x99: {  	s19 =	sld [smem:$0x3FDB];
	_ =	sdelay $0x1  }
0x9a: {  	s5 =	simm.s32 $_scs_section_size  }
0x9b: {  	s6 =	simm.s32 $_size__tile_overlayer_lowered;
	s7 =	simm.s32 $_tile_overlayer_lowered  }
0x9c: {  	s22 =	simm.s32 $0x1BFF;
	s21 =	sshll.u32 s7, $0x1;
	s4 =	sadd.s32 s5, s19  }
0x9d: {  	s8 =	simm.s32 $0x0;
	s20 =	sshll.u32 s6, $0x1;
	s6 =	sadd.s32 s21, s4  }
0x9e: {  	[timem:s8], [sflag:s22] =	dma.local [hbm:s6], s20  }
0x9f: {  	_ =	swait.ge [sflag:s22], s20  }
0xa0: {  	s5 =	ssub.s32 $0x0, s20;
	[sflag:s22] =	ssyncset.done $0x0  }
0xa1: {  	[sflag:s22] =	ssyncadd.s32 s5;
	_ =	sdelay $0x1  }
0xa2: {  	s23 =	simm.s32 $0x1B8B  }
0xa3: {  	_ =	swait.ge [sflag:s23], $0x1  }
0xa4: {  	[sflag:s23] =	ssyncset.done $0x0  }
0xa5: {  	s25 =	simm.s32 $0x1B8E;
	s24 =	sld [smem:$0x3FFE];
	[sflag:s23] =	ssyncadd.s32 $0xFFFFFFFF  }
0xa6: {  	s26 =	simm.s32 $execute0_lowered;
	[smem:$0x3FD2] =	sst s25  }
0xa7: {  	s6 =	sshll.u32 s26, $0x1;
	_ =	strace $0x80000046;
	[dreg:$0x1] =	wrdreg $0xFFFFFFFF  }
0xa8: {  	s28 =	simm.s32 $_size_execute0_lowered;
	s4 =	sadd.s32 s4, s6;
	[dreg:$0x0] =	wrdreg $0x0  }
0xa9: {  	s6 =	sshll.u32 s28, $0x1;
	[dreg:$0x2] =	wrdreg s4  }
0xaa: {  	[dreg:$0x3] =	wrdreg s6  }
0xab: {  	[dreg:$0x4] =	wrdreg $0xC0  }
0xac: {  	_ =	task [dreg:s8], $0x5FFFF  }
0xad: {  	[dreg:$0x1] =	wrdreg $0xFFFFFFFF  }
0xae: {  	[dreg:$0x0] =	wrdreg $0x60  }
0xaf: {  	[dreg:$0x2] =	wrdreg s24  }
0xb0: {  	[dreg:$0x3] =	wrdreg s2  }
0xb1: {  	[dreg:$0x4] =	wrdreg s18  }
0xb2: {  	[dreg:$0x5] =	wrdreg $0x9  }
0xb3: {  	_ =	task.clear_ibuf [dreg:s8], $0x6FFFF;
	_ =	strace $0x90000046  }
0xb4: {  	s29 =	simm.s32 $0x9;
	_ =	strace $0x80000048  }
0xb5: {  	_ =	swait.ge [sflag:s29], $0x1  }
0xb6: {  	[sflag:s29] =	ssyncadd.s32 $0xFFFFFFFF  }
0xb7: {  	_ =	strace $0x90000048  }
0xb8: {  	_ =	sfence  }
0xb9: {  	s30 =	sld [smem:$0x0];
	_ =	sdelay $0x2  }
0xba: {  	s31 =	sshll.u32 s1, $0xD;
	s1 =	sshrl.u32 s1, $0x2  }
0xbb: {  	s3 =	sand.u32 $0x4000, s31;
	s1 =	sadd.s32 s1, s30  }
0xbc: {  	s0 =	sor.u32 s3, s0;
	s1 =	sshll.u32 s1, $0x11  }
0xbd: {  	s0 =	sor.u32 s1, s0  }
0xbe: {  	s0 =	sadd.s32 $0x8F2B, s0  }
0xbf: {  	[sflag:s0] =	ssyncadd.remote.s32 $0x1  }
0xc0: {  	_ =	sfence.sel $0xFFFF  }
0xc1: {  	[dreg:$0x0] =	wrdreg $0xFFFFFFFF;
	(pc) =	sbr.abs _section_cstart, $3  }
0xc2: {  	[dreg:$0x1] =	wrdreg $0xFFFFFFFF  }
0xc3: {  	_ =	task.clear_ibuf [dreg:s8], $0x2FFFF;
	_ =	strace $0x9FFFFFFF  }
0xc4: {  	(tm) =	ssettm $0x7FFFFFFF  }
0xc5: {  	_ =	shalt  }
tec
execute0_lowered:
.L_overlay_start_1:
0x0: {  	(tag) =	ssettag $0x1  }
0x1: {  	s3 =	rddreg [dreg:$0x0]  }
0x2: {  	s4 =	rddreg [dreg:$0x1]  }
0x3: {  	s5 =	rddreg [dreg:$0x2]  }
0x4: {  	s0 =	rddreg [dreg:$0x3]  }
0x5: {  	s6 =	srdreg.scid;
	s1 =	stileid.u32  }
0x6: {  	s2 =	simm.s32 $0x0;
	s10 =	simm.s32 $0x9C00;
	s11 =	simm.s32 $0x1  }
0x7: {  	s12 =	simm.s32 $0x2;
	s13 =	simm.s32 $0x10400;
	s14 =	simm.s32 $0x0  }
0x8: {  	s6 =	sand.u32 $0x1, s6;
	s7 =	sshll.u32 s1, $0x1;
	[smem:$0x7FF] =	sst s2  }
.Ltmp0:
0x9: {  	s7 =	sor.u32 s6, s7;
	s6 =	ssub.s32 $0x2, s6;
	(pc) =	sbr.rel .LBB2_1-.Ltmp0, $4  }
0xa: {  	s3 =	sadd.s32 $0x27AC800, s3;
	_ =	strace $0x80000047;
	s9 =	sshrl.u32 s6, $0x1  }
0xb: {  	s8 =	smul.u32 $0x680, s7;
	s7 =	sshll.u32 s7, $0xC;
	s6 =	ssub.s32 s6, s9  }
0xc: {  	s5 =	sadd.s32 s5, s7;
	s7 =	simm.s32 $0x3;
	s9 =	simm.s32 $0x3400  }
0xd: {  	s4 =	sadd.s32 s4, s8;
	s6 =	smax.u32 s6, $0x1;
	s8 =	simm.s32 $0x1A0  }
.LBB2_8:
0xe: {  	s14 =	sadd.s32 $0x1, s14  }
0xf: {  	p0 =	sne.s32 s14, s6  }
.Ltmp1:
0x10: {  	_ = 	snop;
	(pc) =	sbr.rel @!p0 .LBB2_9-.Ltmp1, $4  }
0x11: {  	[hbm4b:s5+s2] =	stream.linear.scatter [tilespmem:s13], [sflag:$0x3], $0x8000, $0x38;
	[tilespmem:$0x18400] =	vst v63  }
0x12: {  	_ =	swait.ge [sflag:s7], $0x8000  }
0x13: {  	[sflag:s7] =	ssyncset.done $0x0  }
0x14: {  	[sflag:s7] =	ssyncadd.s32 $0xFFFF8000  }
.LBB2_1:
0x15: {  	[tilespmem:s2], [sflag:$0x3] =	stream.linear.gather [hbm4b:s4+s2], $0x3400, $0x38;
	[tilespmem:$0x18400] =	vst v63  }
0x16: {  	_ =	swait.ge [sflag:s7], $0x3400  }
0x17: {  	[sflag:s7] =	ssyncset.done $0x0  }
0x18: {  	[sflag:s7] =	ssyncadd.s32 $0xFFFFCC00  }
0x19: {  	[tilespmem:s9], [sflag:$0x1] =	stream.indirect.gather [hbm4b:s3+s8], $0x40, s2, s8, $0xb8;
	[tilespmem:$0x18400] =	vst v63  }
0x1a: {  	s15 =	simm.s32 $0x10430;
	s16 =	simm.s32 $0x10830;
	s17 =	simm.s32 $0x0  }
0x1b: {  	[tilespmem:s10], [sflag:$0x2] =	stream.indirect.gather [hbm4b:s3+s8], $0x40, s8, s8, $0xb8;
	[tilespmem:$0x18400] =	vst v63  }
.LBB2_2:
0x1c: {  	_ =	swait.ge [sflag:s11], $0x6800  }
0x1d: {  	[sflag:s11] =	ssyncset.done $0x0  }
0x1e: {  	s18 =	simm.s32 $0x3740;
	[sflag:s11] =	ssyncadd.s32 $0xFFFF9800  }
0x1f: {  	v16 =	vld [tilespmem:s18+$0xFFFFFCC0]  }
0x20: {  	v17 =	vld [tilespmem:s18+$0xFFFFFCD0]  }
0x21: {  	v18 =	vld [tilespmem:s18+$0xFFFFFD10]  }
0x22: {  	v19 =	vld [tilespmem:s18+$0xFFFFFCE0]  }
0x23: {  	v20 =	vld [tilespmem:s18+$0xFFFFFD20]  }
0x24: {  	v21 =	vld [tilespmem:s18+$0xFFFFFD40]  }
0x25: {  	v22 =	vld [tilespmem:s18+$0xFFFFFCF0]  }
0x26: {  	v23 =	vld [tilespmem:s18+$0xFFFFFD30]  }
0x27: {  	v24 =	vld [tilespmem:s18+$0xFFFFFD50]  }
0x28: {  	v1 =	vld [tilespmem:s18+$0x300]  }
0x29: {  	v2 =	vld [tilespmem:s18+$0x310]  }
0x2a: {  	v0 =	vld [tilespmem:s18+$0x2C0]  }
0x2b: {  	v3 =	vld [tilespmem:s18+$0x2D0]  }
0x2c: {  	v5 =	vld [tilespmem:s18+$0x280]  }
0x2d: {  	v4 =	vld [tilespmem:s18+$0x290]  }
0x2e: {  	v7 =	vld [tilespmem:s18+$0x240]  }
0x2f: {  	v6 =	vld [tilespmem:s18+$0x250]  }
0x30: {  	v9 =	vld [tilespmem:s18+$0x200]  }
0x31: {  	v8 =	vld [tilespmem:s18+$0x210]  }
0x32: {  	v11 =	vld [tilespmem:s18+$0x1C0]  }
0x33: {  	v10 =	vld [tilespmem:s18+$0x1D0]  }
0x34: {  	v13 =	vld [tilespmem:s18+$0x180]  }
0x35: {  	v12 =	vld [tilespmem:s18+$0x190]  }
0x36: {  	v14 =	vld [tilespmem:s18+$0x150]  }
0x37: {  	v15 =	vld [tilespmem:s18+$0x140]  }
0x38: {  	v25 =	vld [tilespmem:s18+$0x100]  }
0x39: {  	v26 =	vld [tilespmem:s18+$0x110]  }
0x3a: {  	v27 =	vld [tilespmem:s18+$0xC0]  }
0x3b: {  	v28 =	vld [tilespmem:s18+$0xD0]  }
0x3c: {  	v29 =	vld [tilespmem:s18+$0x80]  }
0x3d: {  	v30 =	vld [tilespmem:s18+$0x90]  }
0x3e: {  	v31 =	vld [tilespmem:s18+$0x40]  }
0x3f: {  	v32 =	vld [tilespmem:s18+$0x50]  }
0x40: {  	v33 =	vld [tilespmem:s18+$0x0]  }
0x41: {  	v34 =	vld [tilespmem:s18+$0x10]  }
0x42: {  	v35 =	vld [tilespmem:s18+$0xFFFFFFC0]  }
0x43: {  	v36 =	vld [tilespmem:s18+$0xFFFFFFD0]  }
0x44: {  	v37 =	vld [tilespmem:s18+$0xFFFFFF90]  }
0x45: {  	v38 =	vld [tilespmem:s18+$0xFFFFFF80]  }
0x46: {  	v39 =	vld [tilespmem:s18+$0xFFFFFF50]  }
0x47: {  	v40 =	vld [tilespmem:s18+$0xFFFFFF40]  }
0x48: {  	v41 =	vld [tilespmem:s18+$0xFFFFFF10]  }
0x49: {  	v42 =	vld [tilespmem:s18+$0xFFFFFF00]  }
0x4a: {  	v43 =	vld [tilespmem:s18+$0xFFFFFED0]  }
0x4b: {  	v44 =	vld [tilespmem:s18+$0xFFFFFEC0]  }
0x4c: {  	v45 =	vld [tilespmem:s18+$0xFFFFFE90]  }
0x4d: {  	v46 =	vld [tilespmem:s18+$0xFFFFFE80]  }
0x4e: {  	v47 =	vld [tilespmem:s18+$0xFFFFFE50]  }
0x4f: {  	v48 =	vld [tilespmem:s18+$0xFFFFFE40]  }
0x50: {  	v49 =	vld [tilespmem:s18+$0xFFFFFE10]  }
0x51: {  	v50 =	vld [tilespmem:s18+$0xFFFFFE00]  }
0x52: {  	v51 =	vld [tilespmem:s18+$0xFFFFFDD0]  }
0x53: {  	v52 =	vld [tilespmem:s18+$0xFFFFFD00]  }
0x54: {  	v53 =	vld [tilespmem:s18+$0xFFFFFDC0]  }
0x55: {  	v54 =	vld [tilespmem:s18+$0xFFFFFD90]  }
0x56: {  	v55 =	vld [tilespmem:s18+$0xFFFFFD80]  }
0x57: {  	v56 =	vld [tilespmem:s18+$0xFFFFFD60]  }
0x58: {  	v59 =	vld [tilespmem:s18+$0xFFFFFD70];
	v16 =	vadd.f32 v52, v16  }
0x59: {  	v60 =	vld [tilespmem:s18+$0xFFFFFDA0];
	v17 =	vadd.f32 v18, v17  }
0x5a: {  	v61 =	vld [tilespmem:s18+$0xFFFFFDB0];
	v19 =	vadd.f32 v20, v19;
	v16 =	vadd.f32 v21, v16  }
0x5b: {  	v63 =	vld [tilespmem:s18+$0xFFFFFDE0];
	v62 =	vadd.f32 v23, v22;
	v17 =	vadd.f32 v24, v17  }
0x5c: {  	v57 =	vld [tilespmem:s18+$0xFFFFFDF0];
	v19 =	vadd.f32 v56, v19;
	v16 =	vadd.f32 v55, v16  }
0x5d: {  	v58 =	vld [tilespmem:s18+$0xFFFFFE20];
	v21 =	vadd.f32 v59, v62;
	v17 =	vadd.f32 v54, v17  }
0x5e: {  	v59 =	vld [tilespmem:s18+$0xFFFFFE30];
	v18 =	vadd.f32 v60, v19;
	v16 =	vadd.f32 v53, v16  }
0x5f: {  	v20 =	vadd.f32 v61, v21;
	v60 =	vld [tilespmem:s18+$0xFFFFFE60];
	v17 =	vadd.f32 v51, v17  }
0x60: {  	v61 =	vld [tilespmem:s18+$0xFFFFFE70];
	v18 =	vadd.f32 v63, v18;
	v16 =	vadd.f32 v50, v16  }
0x61: {  	v62 =	vld [tilespmem:s18+$0xFFFFFEA0];
	v20 =	vadd.f32 v57, v20;
	v17 =	vadd.f32 v49, v17  }
0x62: {  	v63 =	vld [tilespmem:s18+$0xFFFFFEB0];
	v18 =	vadd.f32 v58, v18;
	v16 =	vadd.f32 v48, v16  }
0x63: {  	v19 =	vadd.f32 v59, v20;
	v17 =	vadd.f32 v47, v17;
	v48 =	vld [tilespmem:s18+$0xFFFFFEE0]  }
0x64: {  	v49 =	vld [tilespmem:s18+$0xFFFFFEF0];
	v18 =	vadd.f32 v60, v18;
	v16 =	vadd.f32 v46, v16  }
0x65: {  	v50 =	vld [tilespmem:s18+$0xFFFFFF20];
	v19 =	vadd.f32 v61, v19;
	v17 =	vadd.f32 v45, v17  }
0x66: {  	v51 =	vld [tilespmem:s18+$0xFFFFFF30];
	v18 =	vadd.f32 v62, v18;
	v16 =	vadd.f32 v44, v16  }
0x67: {  	v52 =	vld [tilespmem:s18+$0xFFFFFF60];
	v19 =	vadd.f32 v63, v19;
	v17 =	vadd.f32 v43, v17  }
0x68: {  	v53 =	vld [tilespmem:s18+$0xFFFFFF70];
	v18 =	vadd.f32 v48, v18;
	v16 =	vadd.f32 v42, v16  }
0x69: {  	v54 =	vld [tilespmem:s18+$0xFFFFFFA0];
	v19 =	vadd.f32 v49, v19;
	v17 =	vadd.f32 v41, v17  }
0x6a: {  	v55 =	vld [tilespmem:s18+$0xFFFFFFB0];
	v18 =	vadd.f32 v50, v18;
	v16 =	vadd.f32 v40, v16  }
0x6b: {  	v56 =	vld [tilespmem:s18+$0xFFFFFFE0];
	v19 =	vadd.f32 v51, v19;
	v17 =	vadd.f32 v39, v17  }
0x6c: {  	v57 =	vld [tilespmem:s18+$0xFFFFFFF0];
	v18 =	vadd.f32 v52, v18;
	v16 =	vadd.f32 v38, v16  }
0x6d: {  	v58 =	vld [tilespmem:s18+$0x20];
	v19 =	vadd.f32 v53, v19;
	v17 =	vadd.f32 v37, v17  }
0x6e: {  	v59 =	vld [tilespmem:s18+$0x30];
	v18 =	vadd.f32 v54, v18;
	v16 =	vadd.f32 v35, v16  }
0x6f: {  	v60 =	vld [tilespmem:s18+$0x60];
	v19 =	vadd.f32 v55, v19;
	v17 =	vadd.f32 v36, v17  }
0x70: {  	v61 =	vld [tilespmem:s18+$0x70];
	v18 =	vadd.f32 v56, v18;
	v16 =	vadd.f32 v33, v16  }
0x71: {  	v62 =	vld [tilespmem:s18+$0xA0];
	v19 =	vadd.f32 v57, v19;
	v17 =	vadd.f32 v34, v17  }
0x72: {  	v63 =	vld [tilespmem:s18+$0xB0];
	v18 =	vadd.f32 v58, v18;
	v16 =	vadd.f32 v31, v16  }
0x73: {  	v19 =	vadd.f32 v59, v19;
	v17 =	vadd.f32 v32, v17;
	v31 =	vld [tilespmem:s18+$0xE0]  }
0x74: {  	v32 =	vld [tilespmem:s18+$0xF0];
	v18 =	vadd.f32 v60, v18;
	v16 =	vadd.f32 v29, v16  }
0x75: {  	v33 =	vld [tilespmem:s18+$0x120];
	v19 =	vadd.f32 v61, v19;
	v17 =	vadd.f32 v30, v17  }
0x76: {  	v34 =	vld [tilespmem:s18+$0x130];
	v18 =	vadd.f32 v62, v18;
	v16 =	vadd.f32 v27, v16  }
0x77: {  	v35 =	vld [tilespmem:s18+$0x160];
	v19 =	vadd.f32 v63, v19;
	v17 =	vadd.f32 v28, v17  }
0x78: {  	v36 =	vld [tilespmem:s18+$0x170];
	v18 =	vadd.f32 v31, v18;
	v16 =	vadd.f32 v25, v16  }
0x79: {  	v37 =	vld [tilespmem:s18+$0x1A0];
	v19 =	vadd.f32 v32, v19;
	v17 =	vadd.f32 v26, v17  }
0x7a: {  	v38 =	vld [tilespmem:s18+$0x1B0];
	v18 =	vadd.f32 v33, v18;
	v15 =	vadd.f32 v15, v16  }
0x7b: {  	v40 =	vld [tilespmem:s18+$0x1E0];
	v39 =	vadd.f32 v34, v19;
	v14 =	vadd.f32 v14, v17  }
0x7c: {  	v41 =	vld [tilespmem:s18+$0x1F0];
	v18 =	vadd.f32 v35, v18;
	v13 =	vadd.f32 v13, v15  }
0x7d: {  	v43 =	vld [tilespmem:s18+$0x220];
	v42 =	vadd.f32 v36, v39;
	v12 =	vadd.f32 v12, v14  }
0x7e: {  	v44 =	vld [tilespmem:s18+$0x230];
	v18 =	vadd.f32 v37, v18;
	v11 =	vadd.f32 v11, v13  }
0x7f: {  	v46 =	vld [tilespmem:s18+$0x260];
	v45 =	vadd.f32 v38, v42;
	v10 =	vadd.f32 v10, v12  }
0x80: {  	v48 =	vld [tilespmem:s18+$0x270];
	v47 =	vadd.f32 v40, v18;
	v9 =	vadd.f32 v9, v11  }
0x81: {  	v50 =	vld [tilespmem:s18+$0x2A0];
	v49 =	vadd.f32 v41, v45;
	v8 =	vadd.f32 v8, v10  }
0x82: {  	v52 =	vld [tilespmem:s18+$0x2B0];
	v51 =	vadd.f32 v43, v47;
	v7 =	vadd.f32 v7, v9  }
0x83: {  	v54 =	vld [tilespmem:s18+$0x2E0];
	v53 =	vadd.f32 v44, v49;
	v6 =	vadd.f32 v6, v8  }
0x84: {  	v56 =	vld [tilespmem:s18+$0x2F0];
	v55 =	vadd.f32 v46, v51;
	v5 =	vadd.f32 v5, v7  }
0x85: {  	v58 =	vld [tilespmem:s18+$0x320];
	v57 =	vadd.f32 v48, v53;
	v4 =	vadd.f32 v4, v6  }
0x86: {  	v59 =	vadd.f32 v50, v55;
	v5 =	vadd.f32 v0, v5  }
0x87: {  	v60 =	vld [tilespmem:s18+$0x330];
	v6 =	vadd.f32 v52, v57;
	v0 =	vmov s15;
	v3 =	vadd.f32 v3, v4  }
0x88: {  	v61 =	vadd.f32 v54, v59;
	v1 =	vadd.f32 v1, v5  }
0x89: {  	v2 =	vadd.f32 v2, v3  }
0x8a: {  	v3 =	vadd.f32 v56, v6;
	v62 =	vadd.f32 v58, v61;
	v1 =	vmul.f32 $3.846153990e-02, v1  }
0x8b: {  	s20 =	simm.s32 $0x0;
	v2 =	vmul.f32 $3.846153990e-02, v2  }
0x8c: {  	v3 =	vadd.f32 v60, v3;
	v63 =	vmul.f32 $3.846153990e-02, v62;
	[tilespmem:v0+s20+$0xFFFFFFD0 ss:$0x1] =	vst.idx.msk $0xffff, v1  }
0x8d: {  	[tilespmem:v0+s20+$0xFFFFFFE0 ss:$0x1] =	vst.idx.msk $0xffff, v2  }
0x8e: {  	s19 =	simm.s32 $0x100;
	v1 =	vmul.f32 $3.846153990e-02, v3;
	[tilespmem:v0+s20+$0xFFFFFFF0 ss:$0x1] =	vst.idx.msk $0xffff, v63  }
.LBB2_3:
0x8f: {  	p0 =	sne.s32 s19, $0xF00  }
0x90: {  	[tilespmem:v0+s20+$0x0 ss:$0x1] =	vst.idx.msk $0xffff, v1;
	s18 =	sadd.s32 $0x680, s18;
	s20 =	smov.u32 s19;
	s19 =	sadd.s32 $0x100, s19  }
0x91: {  	v28 =	vld [tilespmem:s18+$0xFFFFFCC0]  }
0x92: {  	v1 =	vld [tilespmem:s18+$0xFFFFFCD0]  }
0x93: {  	v2 =	vld [tilespmem:s18+$0xFFFFFD10]  }
0x94: {  	v3 =	vld [tilespmem:s18+$0xFFFFFCE0]  }
0x95: {  	v4 =	vld [tilespmem:s18+$0xFFFFFD20]  }
0x96: {  	v29 =	vld [tilespmem:s18+$0xFFFFFD40]  }
0x97: {  	v5 =	vld [tilespmem:s18+$0xFFFFFCF0]  }
0x98: {  	v30 =	vadd.f32 v2, v1;
	v6 =	vld [tilespmem:s18+$0xFFFFFD30]  }
0x99: {  	v31 =	vld [tilespmem:s18+$0xFFFFFD50]  }
0x9a: {  	v32 =	vadd.f32 v4, v3;
	v1 =	vld [tilespmem:s18+$0x300]  }
0x9b: {  	v2 =	vld [tilespmem:s18+$0x310]  }
0x9c: {  	v3 =	vld [tilespmem:s18+$0x2C0]  }
0x9d: {  	v33 =	vadd.f32 v6, v5;
	v4 =	vld [tilespmem:s18+$0x2D0]  }
0x9e: {  	v5 =	vld [tilespmem:s18+$0x280]  }
0x9f: {  	v6 =	vld [tilespmem:s18+$0x290]  }
0xa0: {  	v7 =	vld [tilespmem:s18+$0x240]  }
0xa1: {  	v8 =	vld [tilespmem:s18+$0x250]  }
0xa2: {  	v9 =	vld [tilespmem:s18+$0x200]  }
0xa3: {  	v10 =	vld [tilespmem:s18+$0x210]  }
0xa4: {  	v11 =	vld [tilespmem:s18+$0x1C0]  }
0xa5: {  	v12 =	vld [tilespmem:s18+$0x1D0]  }
0xa6: {  	v13 =	vld [tilespmem:s18+$0x180]  }
0xa7: {  	v14 =	vld [tilespmem:s18+$0x190]  }
0xa8: {  	v16 =	vld [tilespmem:s18+$0x150]  }
0xa9: {  	v15 =	vld [tilespmem:s18+$0x140]  }
0xaa: {  	v17 =	vld [tilespmem:s18+$0x100]  }
0xab: {  	v18 =	vld [tilespmem:s18+$0x110]  }
0xac: {  	v19 =	vld [tilespmem:s18+$0xC0]  }
0xad: {  	v20 =	vld [tilespmem:s18+$0xD0]  }
0xae: {  	v21 =	vld [tilespmem:s18+$0x80]  }
0xaf: {  	v22 =	vld [tilespmem:s18+$0x90]  }
0xb0: {  	v23 =	vld [tilespmem:s18+$0x40]  }
0xb1: {  	v24 =	vld [tilespmem:s18+$0x50]  }
0xb2: {  	v25 =	vld [tilespmem:s18+$0x0]  }
0xb3: {  	v26 =	vld [tilespmem:s18+$0x10]  }
0xb4: {  	v27 =	vld [tilespmem:s18+$0xFFFFFFC0]  }
0xb5: {  	v34 =	vld [tilespmem:s18+$0xFFFFFFD0]  }
0xb6: {  	v35 =	vld [tilespmem:s18+$0xFFFFFF90]  }
0xb7: {  	v36 =	vld [tilespmem:s18+$0xFFFFFF80]  }
0xb8: {  	v37 =	vld [tilespmem:s18+$0xFFFFFF50]  }
0xb9: {  	v38 =	vld [tilespmem:s18+$0xFFFFFF40]  }
0xba: {  	v39 =	vld [tilespmem:s18+$0xFFFFFF10]  }
0xbb: {  	v40 =	vld [tilespmem:s18+$0xFFFFFF00]  }
0xbc: {  	v41 =	vld [tilespmem:s18+$0xFFFFFED0]  }
0xbd: {  	v42 =	vld [tilespmem:s18+$0xFFFFFEC0]  }
0xbe: {  	v43 =	vld [tilespmem:s18+$0xFFFFFE90]  }
0xbf: {  	v44 =	vld [tilespmem:s18+$0xFFFFFE80]  }
0xc0: {  	v45 =	vld [tilespmem:s18+$0xFFFFFE50]  }
0xc1: {  	v46 =	vld [tilespmem:s18+$0xFFFFFE40]  }
0xc2: {  	v47 =	vld [tilespmem:s18+$0xFFFFFE10]  }
0xc3: {  	v48 =	vld [tilespmem:s18+$0xFFFFFE00]  }
0xc4: {  	v49 =	vld [tilespmem:s18+$0xFFFFFDD0]  }
0xc5: {  	v50 =	vld [tilespmem:s18+$0xFFFFFD00]  }
0xc6: {  	v51 =	vld [tilespmem:s18+$0xFFFFFDC0]  }
0xc7: {  	v52 =	vld [tilespmem:s18+$0xFFFFFD90]  }
0xc8: {  	v53 =	vld [tilespmem:s18+$0xFFFFFD80]  }
0xc9: {  	v54 =	vld [tilespmem:s18+$0xFFFFFD60]  }
0xca: {  	v30 =	vadd.f32 v31, v30;
	v28 =	vadd.f32 v50, v28;
	v31 =	vld [tilespmem:s18+$0xFFFFFD70]  }
0xcb: {  	v50 =	vld [tilespmem:s18+$0xFFFFFDA0]  }
0xcc: {  	v28 =	vadd.f32 v29, v28;
	v29 =	vadd.f32 v52, v30;
	v30 =	vld [tilespmem:s18+$0xFFFFFDB0]  }
0xcd: {  	v52 =	vld [tilespmem:s18+$0xFFFFFDE0]  }
0xce: {  	v32 =	vadd.f32 v54, v32;
	v28 =	vadd.f32 v53, v28;
	v53 =	vld [tilespmem:s18+$0xFFFFFDF0]  }
0xcf: {  	v29 =	vadd.f32 v49, v29;
	v31 =	vadd.f32 v31, v33;
	v33 =	vld [tilespmem:s18+$0xFFFFFE20]  }
0xd0: {  	v32 =	vadd.f32 v50, v32;
	v28 =	vadd.f32 v51, v28;
	v49 =	vld [tilespmem:s18+$0xFFFFFE30]  }
0xd1: {  	v29 =	vadd.f32 v47, v29;
	v30 =	vadd.f32 v30, v31;
	v31 =	vld [tilespmem:s18+$0xFFFFFE60]  }
0xd2: {  	v32 =	vadd.f32 v52, v32;
	v28 =	vadd.f32 v48, v28;
	v47 =	vld [tilespmem:s18+$0xFFFFFE70]  }
0xd3: {  	v29 =	vadd.f32 v45, v29;
	v30 =	vadd.f32 v53, v30;
	v45 =	vld [tilespmem:s18+$0xFFFFFEA0]  }
0xd4: {  	v32 =	vadd.f32 v33, v32;
	v28 =	vadd.f32 v46, v28;
	v33 =	vld [tilespmem:s18+$0xFFFFFEB0]  }
0xd5: {  	v29 =	vadd.f32 v43, v29;
	v30 =	vadd.f32 v49, v30;
	v43 =	vld [tilespmem:s18+$0xFFFFFEE0]  }
0xd6: {  	v31 =	vadd.f32 v31, v32;
	v28 =	vadd.f32 v44, v28;
	v32 =	vld [tilespmem:s18+$0xFFFFFEF0]  }
0xd7: {  	v29 =	vadd.f32 v41, v29;
	v30 =	vadd.f32 v47, v30;
	v41 =	vld [tilespmem:s18+$0xFFFFFF20]  }
0xd8: {  	v31 =	vadd.f32 v45, v31;
	v28 =	vadd.f32 v42, v28;
	v42 =	vld [tilespmem:s18+$0xFFFFFF30]  }
0xd9: {  	v29 =	vadd.f32 v39, v29;
	v30 =	vadd.f32 v33, v30;
	v33 =	vld [tilespmem:s18+$0xFFFFFF60]  }
0xda: {  	v31 =	vadd.f32 v43, v31;
	v28 =	vadd.f32 v40, v28;
	v39 =	vld [tilespmem:s18+$0xFFFFFF70]  }
0xdb: {  	v29 =	vadd.f32 v37, v29;
	v30 =	vadd.f32 v32, v30;
	v32 =	vld [tilespmem:s18+$0xFFFFFFA0]  }
0xdc: {  	v31 =	vadd.f32 v41, v31;
	v28 =	vadd.f32 v38, v28;
	v37 =	vld [tilespmem:s18+$0xFFFFFFB0]  }
0xdd: {  	v29 =	vadd.f32 v35, v29;
	v30 =	vadd.f32 v42, v30;
	v35 =	vld [tilespmem:s18+$0xFFFFFFE0]  }
0xde: {  	v31 =	vadd.f32 v33, v31;
	v28 =	vadd.f32 v36, v28;
	v33 =	vld [tilespmem:s18+$0xFFFFFFF0]  }
0xdf: {  	v29 =	vadd.f32 v34, v29;
	v30 =	vadd.f32 v39, v30;
	v34 =	vld [tilespmem:s18+$0x20]  }
0xe0: {  	v31 =	vadd.f32 v32, v31;
	v27 =	vadd.f32 v27, v28;
	v28 =	vld [tilespmem:s18+$0x30]  }
0xe1: {  	v26 =	vadd.f32 v26, v29;
	v30 =	vadd.f32 v37, v30;
	v29 =	vld [tilespmem:s18+$0x60]  }
0xe2: {  	v31 =	vadd.f32 v35, v31;
	v25 =	vadd.f32 v25, v27;
	v27 =	vld [tilespmem:s18+$0x70]  }
0xe3: {  	v24 =	vadd.f32 v24, v26;
	v30 =	vadd.f32 v33, v30;
	v26 =	vld [tilespmem:s18+$0xA0]  }
0xe4: {  	v31 =	vadd.f32 v34, v31;
	v23 =	vadd.f32 v23, v25;
	v25 =	vld [tilespmem:s18+$0xB0]  }
0xe5: {  	v22 =	vadd.f32 v22, v24;
	v28 =	vadd.f32 v28, v30;
	v24 =	vld [tilespmem:s18+$0xE0]  }
0xe6: {  	v29 =	vadd.f32 v29, v31;
	v21 =	vadd.f32 v21, v23;
	v23 =	vld [tilespmem:s18+$0xF0]  }
0xe7: {  	v20 =	vadd.f32 v20, v22;
	v27 =	vadd.f32 v27, v28;
	v22 =	vld [tilespmem:s18+$0x120]  }
0xe8: {  	v26 =	vadd.f32 v26, v29;
	v19 =	vadd.f32 v19, v21;
	v21 =	vld [tilespmem:s18+$0x130]  }
0xe9: {  	v18 =	vadd.f32 v18, v20;
	v25 =	vadd.f32 v25, v27;
	v20 =	vld [tilespmem:s18+$0x160]  }
0xea: {  	v24 =	vadd.f32 v24, v26;
	v17 =	vadd.f32 v17, v19;
	v19 =	vld [tilespmem:s18+$0x170]  }
0xeb: {  	v16 =	vadd.f32 v16, v18;
	v23 =	vadd.f32 v23, v25;
	v18 =	vld [tilespmem:s18+$0x1A0]  }
0xec: {  	v22 =	vadd.f32 v22, v24;
	v15 =	vadd.f32 v15, v17;
	v17 =	vld [tilespmem:s18+$0x1B0]  }
0xed: {  	v14 =	vadd.f32 v14, v16;
	v21 =	vadd.f32 v21, v23;
	v16 =	vld [tilespmem:s18+$0x1E0]  }
0xee: {  	v20 =	vadd.f32 v20, v22;
	v13 =	vadd.f32 v13, v15;
	v15 =	vld [tilespmem:s18+$0x1F0]  }
0xef: {  	v12 =	vadd.f32 v12, v14;
	v19 =	vadd.f32 v19, v21;
	v14 =	vld [tilespmem:s18+$0x220]  }
0xf0: {  	v18 =	vadd.f32 v18, v20;
	v11 =	vadd.f32 v11, v13;
	v13 =	vld [tilespmem:s18+$0x230]  }
0xf1: {  	v10 =	vadd.f32 v10, v12;
	v17 =	vadd.f32 v17, v19;
	v12 =	vld [tilespmem:s18+$0x260]  }
0xf2: {  	v16 =	vadd.f32 v16, v18;
	v9 =	vadd.f32 v9, v11;
	v11 =	vld [tilespmem:s18+$0x270]  }
0xf3: {  	v8 =	vadd.f32 v8, v10;
	v15 =	vadd.f32 v15, v17;
	v10 =	vld [tilespmem:s18+$0x2A0]  }
0xf4: {  	v14 =	vadd.f32 v14, v16;
	v7 =	vadd.f32 v7, v9;
	v9 =	vld [tilespmem:s18+$0x2B0]  }
0xf5: {  	v6 =	vadd.f32 v6, v8;
	v13 =	vadd.f32 v13, v15;
	v8 =	vld [tilespmem:s18+$0x2E0]  }
0xf6: {  	v12 =	vadd.f32 v12, v14;
	v5 =	vadd.f32 v5, v7;
	v7 =	vld [tilespmem:s18+$0x2F0]  }
0xf7: {  	v4 =	vadd.f32 v4, v6;
	v11 =	vadd.f32 v11, v13;
	v6 =	vld [tilespmem:s18+$0x320]  }
0xf8: {  	v10 =	vadd.f32 v10, v12;
	v3 =	vadd.f32 v3, v5;
	v5 =	vld [tilespmem:s18+$0x330]  }
0xf9: {  	v2 =	vadd.f32 v2, v4;
	v9 =	vadd.f32 v9, v11  }
0xfa: {  	v4 =	vadd.f32 v8, v10;
	v1 =	vadd.f32 v1, v3  }
0xfb: {  	v3 =	vadd.f32 v7, v9  }
.Ltmp2:
0xfc: {  	v4 =	vadd.f32 v6, v4;
	v1 =	vmul.f32 $3.846153990e-02, v1;
	(pc) =	sbr.rel @p0 .LBB2_3-.Ltmp2, $4  }
0xfd: {  	s20 =	sshra.s32 s20, $0x2;
	v2 =	vmul.f32 $3.846153990e-02, v2;
	v3 =	vadd.f32 v5, v3  }
0xfe: {  	[tilespmem:v0+s20+$0xFFFFFFD0 ss:$0x1] =	vst.idx.msk $0xffff, v1;
	v4 =	vmul.f32 $3.846153990e-02, v4  }
0xff: {  	[tilespmem:v0+s20+$0xFFFFFFE0 ss:$0x1] =	vst.idx.msk $0xffff, v2;
	v1 =	vmul.f32 $3.846153990e-02, v3  }
0x100: {  	[tilespmem:v0+s20+$0xFFFFFFF0 ss:$0x1] =	vst.idx.msk $0xffff, v4  }
0x101: {  	p0 =	seq.s32 s17, $0xF  }
0x102: {  	s18 =	smul.u32 @!p0 $0xD00, s17;
	_ =	sdelay $0x1  }
0x103: {  	s18 =	sshra.s32 @!p0 s18, $0x2  }
0x104: {  	[tilespmem:v0+s20+$0x0 ss:$0x1] =	vst.idx.msk $0xffff, v1;
	s19 =	simm.s32 @!p0 $0x1A0;
	s20 =	simm.s32 @!p0 $0x3400;
	s18 =	sadd.s32 @!p0 $0x340, s18  }
0x105: {  	[tilespmem:s20], [sflag:$0x1] =	stream.indirect.gather @!p0 [hbm4b:s3+s19], $0x40, s18, s19, $0xb8;
	[tilespmem:$0x18400] =	vst v63  }
0x106: {  	_ =	swait.ge [sflag:s12], $0x6800  }
0x107: {  	[sflag:s12] =	ssyncset.done $0x0  }
0x108: {  	s18 =	simm.s32 $0x9F40;
	[sflag:s12] =	ssyncadd.s32 $0xFFFF9800  }
0x109: {  	v16 =	vld [tilespmem:s18+$0xFFFFFCC0]  }
0x10a: {  	v17 =	vld [tilespmem:s18+$0xFFFFFCD0]  }
0x10b: {  	v18 =	vld [tilespmem:s18+$0xFFFFFD10]  }
0x10c: {  	v19 =	vld [tilespmem:s18+$0xFFFFFCE0]  }
0x10d: {  	v20 =	vld [tilespmem:s18+$0xFFFFFD20]  }
0x10e: {  	v21 =	vld [tilespmem:s18+$0xFFFFFD40]  }
0x10f: {  	v22 =	vld [tilespmem:s18+$0xFFFFFCF0]  }
0x110: {  	v23 =	vld [tilespmem:s18+$0xFFFFFD30]  }
0x111: {  	v24 =	vld [tilespmem:s18+$0xFFFFFD50]  }
0x112: {  	v1 =	vld [tilespmem:s18+$0x300]  }
0x113: {  	v2 =	vld [tilespmem:s18+$0x310]  }
0x114: {  	v0 =	vld [tilespmem:s18+$0x2C0]  }
0x115: {  	v3 =	vld [tilespmem:s18+$0x2D0]  }
0x116: {  	v5 =	vld [tilespmem:s18+$0x280]  }
0x117: {  	v4 =	vld [tilespmem:s18+$0x290]  }
0x118: {  	v7 =	vld [tilespmem:s18+$0x240]  }
0x119: {  	v6 =	vld [tilespmem:s18+$0x250]  }
0x11a: {  	v9 =	vld [tilespmem:s18+$0x200]  }
0x11b: {  	v8 =	vld [tilespmem:s18+$0x210]  }
0x11c: {  	v11 =	vld [tilespmem:s18+$0x1C0]  }
0x11d: {  	v10 =	vld [tilespmem:s18+$0x1D0]  }
0x11e: {  	v13 =	vld [tilespmem:s18+$0x180]  }
0x11f: {  	v12 =	vld [tilespmem:s18+$0x190]  }
0x120: {  	v14 =	vld [tilespmem:s18+$0x150]  }
0x121: {  	v15 =	vld [tilespmem:s18+$0x140]  }
0x122: {  	v25 =	vld [tilespmem:s18+$0x100]  }
0x123: {  	v26 =	vld [tilespmem:s18+$0x110]  }
0x124: {  	v27 =	vld [tilespmem:s18+$0xC0]  }
0x125: {  	v28 =	vld [tilespmem:s18+$0xD0]  }
0x126: {  	v29 =	vld [tilespmem:s18+$0x80]  }
0x127: {  	v30 =	vld [tilespmem:s18+$0x90]  }
0x128: {  	v31 =	vld [tilespmem:s18+$0x40]  }
0x129: {  	v32 =	vld [tilespmem:s18+$0x50]  }
0x12a: {  	v33 =	vld [tilespmem:s18+$0x0]  }
0x12b: {  	v34 =	vld [tilespmem:s18+$0x10]  }
0x12c: {  	v35 =	vld [tilespmem:s18+$0xFFFFFFC0]  }
0x12d: {  	v36 =	vld [tilespmem:s18+$0xFFFFFFD0]  }
0x12e: {  	v37 =	vld [tilespmem:s18+$0xFFFFFF90]  }
0x12f: {  	v38 =	vld [tilespmem:s18+$0xFFFFFF80]  }
0x130: {  	v39 =	vld [tilespmem:s18+$0xFFFFFF50]  }
0x131: {  	v40 =	vld [tilespmem:s18+$0xFFFFFF40]  }
0x132: {  	v41 =	vld [tilespmem:s18+$0xFFFFFF10]  }
0x133: {  	v42 =	vld [tilespmem:s18+$0xFFFFFF00]  }
0x134: {  	v43 =	vld [tilespmem:s18+$0xFFFFFED0]  }
0x135: {  	v44 =	vld [tilespmem:s18+$0xFFFFFEC0]  }
0x136: {  	v45 =	vld [tilespmem:s18+$0xFFFFFE90]  }
0x137: {  	v46 =	vld [tilespmem:s18+$0xFFFFFE80]  }
0x138: {  	v47 =	vld [tilespmem:s18+$0xFFFFFE50]  }
0x139: {  	v48 =	vld [tilespmem:s18+$0xFFFFFE40]  }
0x13a: {  	v49 =	vld [tilespmem:s18+$0xFFFFFE10]  }
0x13b: {  	v50 =	vld [tilespmem:s18+$0xFFFFFE00]  }
0x13c: {  	v51 =	vld [tilespmem:s18+$0xFFFFFDD0]  }
0x13d: {  	v52 =	vld [tilespmem:s18+$0xFFFFFD00]  }
0x13e: {  	v53 =	vld [tilespmem:s18+$0xFFFFFDC0]  }
0x13f: {  	v54 =	vld [tilespmem:s18+$0xFFFFFD90]  }
0x140: {  	v55 =	vld [tilespmem:s18+$0xFFFFFD80]  }
0x141: {  	v56 =	vld [tilespmem:s18+$0xFFFFFD60]  }
0x142: {  	v59 =	vld [tilespmem:s18+$0xFFFFFD70];
	v16 =	vadd.f32 v52, v16  }
0x143: {  	v60 =	vld [tilespmem:s18+$0xFFFFFDA0];
	v17 =	vadd.f32 v18, v17  }
0x144: {  	v61 =	vld [tilespmem:s18+$0xFFFFFDB0];
	v19 =	vadd.f32 v20, v19;
	v16 =	vadd.f32 v21, v16  }
0x145: {  	v63 =	vld [tilespmem:s18+$0xFFFFFDE0];
	v62 =	vadd.f32 v23, v22;
	v17 =	vadd.f32 v24, v17  }
0x146: {  	v57 =	vld [tilespmem:s18+$0xFFFFFDF0];
	v19 =	vadd.f32 v56, v19;
	v16 =	vadd.f32 v55, v16  }
0x147: {  	v58 =	vld [tilespmem:s18+$0xFFFFFE20];
	v21 =	vadd.f32 v59, v62;
	v17 =	vadd.f32 v54, v17  }
0x148: {  	v59 =	vld [tilespmem:s18+$0xFFFFFE30];
	v18 =	vadd.f32 v60, v19;
	v16 =	vadd.f32 v53, v16  }
0x149: {  	v20 =	vadd.f32 v61, v21;
	v60 =	vld [tilespmem:s18+$0xFFFFFE60];
	v17 =	vadd.f32 v51, v17  }
0x14a: {  	v61 =	vld [tilespmem:s18+$0xFFFFFE70];
	v18 =	vadd.f32 v63, v18;
	v16 =	vadd.f32 v50, v16  }
0x14b: {  	v62 =	vld [tilespmem:s18+$0xFFFFFEA0];
	v20 =	vadd.f32 v57, v20;
	v17 =	vadd.f32 v49, v17  }
0x14c: {  	v63 =	vld [tilespmem:s18+$0xFFFFFEB0];
	v18 =	vadd.f32 v58, v18;
	v16 =	vadd.f32 v48, v16  }
0x14d: {  	v19 =	vadd.f32 v59, v20;
	v17 =	vadd.f32 v47, v17;
	v48 =	vld [tilespmem:s18+$0xFFFFFEE0]  }
0x14e: {  	v49 =	vld [tilespmem:s18+$0xFFFFFEF0];
	v18 =	vadd.f32 v60, v18;
	v16 =	vadd.f32 v46, v16  }
0x14f: {  	v50 =	vld [tilespmem:s18+$0xFFFFFF20];
	v19 =	vadd.f32 v61, v19;
	v17 =	vadd.f32 v45, v17  }
0x150: {  	v51 =	vld [tilespmem:s18+$0xFFFFFF30];
	v18 =	vadd.f32 v62, v18;
	v16 =	vadd.f32 v44, v16  }
0x151: {  	v52 =	vld [tilespmem:s18+$0xFFFFFF60];
	v19 =	vadd.f32 v63, v19;
	v17 =	vadd.f32 v43, v17  }
0x152: {  	v53 =	vld [tilespmem:s18+$0xFFFFFF70];
	v18 =	vadd.f32 v48, v18;
	v16 =	vadd.f32 v42, v16  }
0x153: {  	v54 =	vld [tilespmem:s18+$0xFFFFFFA0];
	v19 =	vadd.f32 v49, v19;
	v17 =	vadd.f32 v41, v17  }
0x154: {  	v55 =	vld [tilespmem:s18+$0xFFFFFFB0];
	v18 =	vadd.f32 v50, v18;
	v16 =	vadd.f32 v40, v16  }
0x155: {  	v56 =	vld [tilespmem:s18+$0xFFFFFFE0];
	v19 =	vadd.f32 v51, v19;
	v17 =	vadd.f32 v39, v17  }
0x156: {  	v57 =	vld [tilespmem:s18+$0xFFFFFFF0];
	v18 =	vadd.f32 v52, v18;
	v16 =	vadd.f32 v38, v16  }
0x157: {  	v58 =	vld [tilespmem:s18+$0x20];
	v19 =	vadd.f32 v53, v19;
	v17 =	vadd.f32 v37, v17  }
0x158: {  	v59 =	vld [tilespmem:s18+$0x30];
	v18 =	vadd.f32 v54, v18;
	v16 =	vadd.f32 v35, v16  }
0x159: {  	v60 =	vld [tilespmem:s18+$0x60];
	v19 =	vadd.f32 v55, v19;
	v17 =	vadd.f32 v36, v17  }
0x15a: {  	v61 =	vld [tilespmem:s18+$0x70];
	v18 =	vadd.f32 v56, v18;
	v16 =	vadd.f32 v33, v16  }
0x15b: {  	v62 =	vld [tilespmem:s18+$0xA0];
	v19 =	vadd.f32 v57, v19;
	v17 =	vadd.f32 v34, v17  }
0x15c: {  	v63 =	vld [tilespmem:s18+$0xB0];
	v18 =	vadd.f32 v58, v18;
	v16 =	vadd.f32 v31, v16  }
0x15d: {  	v19 =	vadd.f32 v59, v19;
	v17 =	vadd.f32 v32, v17;
	v31 =	vld [tilespmem:s18+$0xE0]  }
0x15e: {  	v32 =	vld [tilespmem:s18+$0xF0];
	v18 =	vadd.f32 v60, v18;
	v16 =	vadd.f32 v29, v16  }
0x15f: {  	v33 =	vld [tilespmem:s18+$0x120];
	v19 =	vadd.f32 v61, v19;
	v17 =	vadd.f32 v30, v17  }
0x160: {  	v34 =	vld [tilespmem:s18+$0x130];
	v18 =	vadd.f32 v62, v18;
	v16 =	vadd.f32 v27, v16  }
0x161: {  	v35 =	vld [tilespmem:s18+$0x160];
	v19 =	vadd.f32 v63, v19;
	v17 =	vadd.f32 v28, v17  }
0x162: {  	v36 =	vld [tilespmem:s18+$0x170];
	v18 =	vadd.f32 v31, v18;
	v16 =	vadd.f32 v25, v16  }
0x163: {  	v37 =	vld [tilespmem:s18+$0x1A0];
	v19 =	vadd.f32 v32, v19;
	v17 =	vadd.f32 v26, v17  }
0x164: {  	v38 =	vld [tilespmem:s18+$0x1B0];
	v18 =	vadd.f32 v33, v18;
	v15 =	vadd.f32 v15, v16  }
0x165: {  	v40 =	vld [tilespmem:s18+$0x1E0];
	v39 =	vadd.f32 v34, v19;
	v14 =	vadd.f32 v14, v17  }
0x166: {  	v41 =	vld [tilespmem:s18+$0x1F0];
	v18 =	vadd.f32 v35, v18;
	v13 =	vadd.f32 v13, v15  }
0x167: {  	v43 =	vld [tilespmem:s18+$0x220];
	v42 =	vadd.f32 v36, v39;
	v12 =	vadd.f32 v12, v14  }
0x168: {  	v44 =	vld [tilespmem:s18+$0x230];
	v18 =	vadd.f32 v37, v18;
	v11 =	vadd.f32 v11, v13  }
0x169: {  	v46 =	vld [tilespmem:s18+$0x260];
	v45 =	vadd.f32 v38, v42;
	v10 =	vadd.f32 v10, v12  }
0x16a: {  	v48 =	vld [tilespmem:s18+$0x270];
	v47 =	vadd.f32 v40, v18;
	v9 =	vadd.f32 v9, v11  }
0x16b: {  	v50 =	vld [tilespmem:s18+$0x2A0];
	v49 =	vadd.f32 v41, v45;
	v8 =	vadd.f32 v8, v10  }
0x16c: {  	v52 =	vld [tilespmem:s18+$0x2B0];
	v51 =	vadd.f32 v43, v47;
	v7 =	vadd.f32 v7, v9  }
0x16d: {  	v54 =	vld [tilespmem:s18+$0x2E0];
	v53 =	vadd.f32 v44, v49;
	v6 =	vadd.f32 v6, v8  }
0x16e: {  	v56 =	vld [tilespmem:s18+$0x2F0];
	v55 =	vadd.f32 v46, v51;
	v5 =	vadd.f32 v5, v7  }
0x16f: {  	v58 =	vld [tilespmem:s18+$0x320];
	v57 =	vadd.f32 v48, v53;
	v4 =	vadd.f32 v4, v6  }
0x170: {  	v59 =	vadd.f32 v50, v55;
	v5 =	vadd.f32 v0, v5  }
0x171: {  	v60 =	vld [tilespmem:s18+$0x330];
	v6 =	vadd.f32 v52, v57;
	v0 =	vmov s16;
	v3 =	vadd.f32 v3, v4  }
0x172: {  	v61 =	vadd.f32 v54, v59;
	v1 =	vadd.f32 v1, v5  }
0x173: {  	v2 =	vadd.f32 v2, v3  }
0x174: {  	v3 =	vadd.f32 v56, v6;
	v62 =	vadd.f32 v58, v61;
	v1 =	vmul.f32 $3.846153990e-02, v1  }
0x175: {  	s20 =	simm.s32 $0x0;
	v2 =	vmul.f32 $3.846153990e-02, v2  }
0x176: {  	v3 =	vadd.f32 v60, v3;
	v63 =	vmul.f32 $3.846153990e-02, v62;
	[tilespmem:v0+s20+$0xFFFFFFD0 ss:$0x1] =	vst.idx.msk $0xffff, v1  }
0x177: {  	[tilespmem:v0+s20+$0xFFFFFFE0 ss:$0x1] =	vst.idx.msk $0xffff, v2  }
0x178: {  	s19 =	simm.s32 $0x100;
	v1 =	vmul.f32 $3.846153990e-02, v3;
	[tilespmem:v0+s20+$0xFFFFFFF0 ss:$0x1] =	vst.idx.msk $0xffff, v63  }
.LBB2_5:
0x179: {  	p1 =	sne.s32 s19, $0xF00  }
0x17a: {  	[tilespmem:v0+s20+$0x0 ss:$0x1] =	vst.idx.msk $0xffff, v1;
	s18 =	sadd.s32 $0x680, s18;
	s20 =	smov.u32 s19;
	s19 =	sadd.s32 $0x100, s19  }
0x17b: {  	v28 =	vld [tilespmem:s18+$0xFFFFFCC0]  }
0x17c: {  	v1 =	vld [tilespmem:s18+$0xFFFFFCD0]  }
0x17d: {  	v2 =	vld [tilespmem:s18+$0xFFFFFD10]  }
0x17e: {  	v3 =	vld [tilespmem:s18+$0xFFFFFCE0]  }
0x17f: {  	v4 =	vld [tilespmem:s18+$0xFFFFFD20]  }
0x180: {  	v29 =	vld [tilespmem:s18+$0xFFFFFD40]  }
0x181: {  	v5 =	vld [tilespmem:s18+$0xFFFFFCF0]  }
0x182: {  	v30 =	vadd.f32 v2, v1;
	v6 =	vld [tilespmem:s18+$0xFFFFFD30]  }
0x183: {  	v31 =	vld [tilespmem:s18+$0xFFFFFD50]  }
0x184: {  	v32 =	vadd.f32 v4, v3;
	v1 =	vld [tilespmem:s18+$0x300]  }
0x185: {  	v2 =	vld [tilespmem:s18+$0x310]  }
0x186: {  	v3 =	vld [tilespmem:s18+$0x2C0]  }
0x187: {  	v33 =	vadd.f32 v6, v5;
	v4 =	vld [tilespmem:s18+$0x2D0]  }
0x188: {  	v5 =	vld [tilespmem:s18+$0x280]  }
0x189: {  	v6 =	vld [tilespmem:s18+$0x290]  }
0x18a: {  	v7 =	vld [tilespmem:s18+$0x240]  }
0x18b: {  	v8 =	vld [tilespmem:s18+$0x250]  }
0x18c: {  	v9 =	vld [tilespmem:s18+$0x200]  }
0x18d: {  	v10 =	vld [tilespmem:s18+$0x210]  }
0x18e: {  	v11 =	vld [tilespmem:s18+$0x1C0]  }
0x18f: {  	v12 =	vld [tilespmem:s18+$0x1D0]  }
0x190: {  	v13 =	vld [tilespmem:s18+$0x180]  }
0x191: {  	v14 =	vld [tilespmem:s18+$0x190]  }
0x192: {  	v16 =	vld [tilespmem:s18+$0x150]  }
0x193: {  	v15 =	vld [tilespmem:s18+$0x140]  }
0x194: {  	v17 =	vld [tilespmem:s18+$0x100]  }
0x195: {  	v18 =	vld [tilespmem:s18+$0x110]  }
0x196: {  	v19 =	vld [tilespmem:s18+$0xC0]  }
0x197: {  	v20 =	vld [tilespmem:s18+$0xD0]  }
0x198: {  	v21 =	vld [tilespmem:s18+$0x80]  }
0x199: {  	v22 =	vld [tilespmem:s18+$0x90]  }
0x19a: {  	v23 =	vld [tilespmem:s18+$0x40]  }
0x19b: {  	v24 =	vld [tilespmem:s18+$0x50]  }
0x19c: {  	v25 =	vld [tilespmem:s18+$0x0]  }
0x19d: {  	v26 =	vld [tilespmem:s18+$0x10]  }
0x19e: {  	v27 =	vld [tilespmem:s18+$0xFFFFFFC0]  }
0x19f: {  	v34 =	vld [tilespmem:s18+$0xFFFFFFD0]  }
0x1a0: {  	v35 =	vld [tilespmem:s18+$0xFFFFFF90]  }
0x1a1: {  	v36 =	vld [tilespmem:s18+$0xFFFFFF80]  }
0x1a2: {  	v37 =	vld [tilespmem:s18+$0xFFFFFF50]  }
0x1a3: {  	v38 =	vld [tilespmem:s18+$0xFFFFFF40]  }
0x1a4: {  	v39 =	vld [tilespmem:s18+$0xFFFFFF10]  }
0x1a5: {  	v40 =	vld [tilespmem:s18+$0xFFFFFF00]  }
0x1a6: {  	v41 =	vld [tilespmem:s18+$0xFFFFFED0]  }
0x1a7: {  	v42 =	vld [tilespmem:s18+$0xFFFFFEC0]  }
0x1a8: {  	v43 =	vld [tilespmem:s18+$0xFFFFFE90]  }
0x1a9: {  	v44 =	vld [tilespmem:s18+$0xFFFFFE80]  }
0x1aa: {  	v45 =	vld [tilespmem:s18+$0xFFFFFE50]  }
0x1ab: {  	v46 =	vld [tilespmem:s18+$0xFFFFFE40]  }
0x1ac: {  	v47 =	vld [tilespmem:s18+$0xFFFFFE10]  }
0x1ad: {  	v48 =	vld [tilespmem:s18+$0xFFFFFE00]  }
0x1ae: {  	v49 =	vld [tilespmem:s18+$0xFFFFFDD0]  }
0x1af: {  	v50 =	vld [tilespmem:s18+$0xFFFFFD00]  }
0x1b0: {  	v51 =	vld [tilespmem:s18+$0xFFFFFDC0]  }
0x1b1: {  	v52 =	vld [tilespmem:s18+$0xFFFFFD90]  }
0x1b2: {  	v53 =	vld [tilespmem:s18+$0xFFFFFD80]  }
0x1b3: {  	v54 =	vld [tilespmem:s18+$0xFFFFFD60]  }
0x1b4: {  	v30 =	vadd.f32 v31, v30;
	v28 =	vadd.f32 v50, v28;
	v31 =	vld [tilespmem:s18+$0xFFFFFD70]  }
0x1b5: {  	v50 =	vld [tilespmem:s18+$0xFFFFFDA0]  }
0x1b6: {  	v28 =	vadd.f32 v29, v28;
	v29 =	vadd.f32 v52, v30;
	v30 =	vld [tilespmem:s18+$0xFFFFFDB0]  }
0x1b7: {  	v52 =	vld [tilespmem:s18+$0xFFFFFDE0]  }
0x1b8: {  	v32 =	vadd.f32 v54, v32;
	v28 =	vadd.f32 v53, v28;
	v53 =	vld [tilespmem:s18+$0xFFFFFDF0]  }
0x1b9: {  	v29 =	vadd.f32 v49, v29;
	v31 =	vadd.f32 v31, v33;
	v33 =	vld [tilespmem:s18+$0xFFFFFE20]  }
0x1ba: {  	v32 =	vadd.f32 v50, v32;
	v28 =	vadd.f32 v51, v28;
	v49 =	vld [tilespmem:s18+$0xFFFFFE30]  }
0x1bb: {  	v29 =	vadd.f32 v47, v29;
	v30 =	vadd.f32 v30, v31;
	v31 =	vld [tilespmem:s18+$0xFFFFFE60]  }
0x1bc: {  	v32 =	vadd.f32 v52, v32;
	v28 =	vadd.f32 v48, v28;
	v47 =	vld [tilespmem:s18+$0xFFFFFE70]  }
0x1bd: {  	v29 =	vadd.f32 v45, v29;
	v30 =	vadd.f32 v53, v30;
	v45 =	vld [tilespmem:s18+$0xFFFFFEA0]  }
0x1be: {  	v32 =	vadd.f32 v33, v32;
	v28 =	vadd.f32 v46, v28;
	v33 =	vld [tilespmem:s18+$0xFFFFFEB0]  }
0x1bf: {  	v29 =	vadd.f32 v43, v29;
	v30 =	vadd.f32 v49, v30;
	v43 =	vld [tilespmem:s18+$0xFFFFFEE0]  }
0x1c0: {  	v31 =	vadd.f32 v31, v32;
	v28 =	vadd.f32 v44, v28;
	v32 =	vld [tilespmem:s18+$0xFFFFFEF0]  }
0x1c1: {  	v29 =	vadd.f32 v41, v29;
	v30 =	vadd.f32 v47, v30;
	v41 =	vld [tilespmem:s18+$0xFFFFFF20]  }
0x1c2: {  	v31 =	vadd.f32 v45, v31;
	v28 =	vadd.f32 v42, v28;
	v42 =	vld [tilespmem:s18+$0xFFFFFF30]  }
0x1c3: {  	v29 =	vadd.f32 v39, v29;
	v30 =	vadd.f32 v33, v30;
	v33 =	vld [tilespmem:s18+$0xFFFFFF60]  }
0x1c4: {  	v31 =	vadd.f32 v43, v31;
	v28 =	vadd.f32 v40, v28;
	v39 =	vld [tilespmem:s18+$0xFFFFFF70]  }
0x1c5: {  	v29 =	vadd.f32 v37, v29;
	v30 =	vadd.f32 v32, v30;
	v32 =	vld [tilespmem:s18+$0xFFFFFFA0]  }
0x1c6: {  	v31 =	vadd.f32 v41, v31;
	v28 =	vadd.f32 v38, v28;
	v37 =	vld [tilespmem:s18+$0xFFFFFFB0]  }
0x1c7: {  	v29 =	vadd.f32 v35, v29;
	v30 =	vadd.f32 v42, v30;
	v35 =	vld [tilespmem:s18+$0xFFFFFFE0]  }
0x1c8: {  	v31 =	vadd.f32 v33, v31;
	v28 =	vadd.f32 v36, v28;
	v33 =	vld [tilespmem:s18+$0xFFFFFFF0]  }
0x1c9: {  	v29 =	vadd.f32 v34, v29;
	v30 =	vadd.f32 v39, v30;
	v34 =	vld [tilespmem:s18+$0x20]  }
0x1ca: {  	v31 =	vadd.f32 v32, v31;
	v27 =	vadd.f32 v27, v28;
	v28 =	vld [tilespmem:s18+$0x30]  }
0x1cb: {  	v26 =	vadd.f32 v26, v29;
	v30 =	vadd.f32 v37, v30;
	v29 =	vld [tilespmem:s18+$0x60]  }
0x1cc: {  	v31 =	vadd.f32 v35, v31;
	v25 =	vadd.f32 v25, v27;
	v27 =	vld [tilespmem:s18+$0x70]  }
0x1cd: {  	v24 =	vadd.f32 v24, v26;
	v30 =	vadd.f32 v33, v30;
	v26 =	vld [tilespmem:s18+$0xA0]  }
0x1ce: {  	v31 =	vadd.f32 v34, v31;
	v23 =	vadd.f32 v23, v25;
	v25 =	vld [tilespmem:s18+$0xB0]  }
0x1cf: {  	v22 =	vadd.f32 v22, v24;
	v28 =	vadd.f32 v28, v30;
	v24 =	vld [tilespmem:s18+$0xE0]  }
0x1d0: {  	v29 =	vadd.f32 v29, v31;
	v21 =	vadd.f32 v21, v23;
	v23 =	vld [tilespmem:s18+$0xF0]  }
0x1d1: {  	v20 =	vadd.f32 v20, v22;
	v27 =	vadd.f32 v27, v28;
	v22 =	vld [tilespmem:s18+$0x120]  }
0x1d2: {  	v26 =	vadd.f32 v26, v29;
	v19 =	vadd.f32 v19, v21;
	v21 =	vld [tilespmem:s18+$0x130]  }
0x1d3: {  	v18 =	vadd.f32 v18, v20;
	v25 =	vadd.f32 v25, v27;
	v20 =	vld [tilespmem:s18+$0x160]  }
0x1d4: {  	v24 =	vadd.f32 v24, v26;
	v17 =	vadd.f32 v17, v19;
	v19 =	vld [tilespmem:s18+$0x170]  }
0x1d5: {  	v16 =	vadd.f32 v16, v18;
	v23 =	vadd.f32 v23, v25;
	v18 =	vld [tilespmem:s18+$0x1A0]  }
0x1d6: {  	v22 =	vadd.f32 v22, v24;
	v15 =	vadd.f32 v15, v17;
	v17 =	vld [tilespmem:s18+$0x1B0]  }
0x1d7: {  	v14 =	vadd.f32 v14, v16;
	v21 =	vadd.f32 v21, v23;
	v16 =	vld [tilespmem:s18+$0x1E0]  }
0x1d8: {  	v20 =	vadd.f32 v20, v22;
	v13 =	vadd.f32 v13, v15;
	v15 =	vld [tilespmem:s18+$0x1F0]  }
0x1d9: {  	v12 =	vadd.f32 v12, v14;
	v19 =	vadd.f32 v19, v21;
	v14 =	vld [tilespmem:s18+$0x220]  }
0x1da: {  	v18 =	vadd.f32 v18, v20;
	v11 =	vadd.f32 v11, v13;
	v13 =	vld [tilespmem:s18+$0x230]  }
0x1db: {  	v10 =	vadd.f32 v10, v12;
	v17 =	vadd.f32 v17, v19;
	v12 =	vld [tilespmem:s18+$0x260]  }
0x1dc: {  	v16 =	vadd.f32 v16, v18;
	v9 =	vadd.f32 v9, v11;
	v11 =	vld [tilespmem:s18+$0x270]  }
0x1dd: {  	v8 =	vadd.f32 v8, v10;
	v15 =	vadd.f32 v15, v17;
	v10 =	vld [tilespmem:s18+$0x2A0]  }
0x1de: {  	v14 =	vadd.f32 v14, v16;
	v7 =	vadd.f32 v7, v9;
	v9 =	vld [tilespmem:s18+$0x2B0]  }
0x1df: {  	v6 =	vadd.f32 v6, v8;
	v13 =	vadd.f32 v13, v15;
	v8 =	vld [tilespmem:s18+$0x2E0]  }
0x1e0: {  	v12 =	vadd.f32 v12, v14;
	v5 =	vadd.f32 v5, v7;
	v7 =	vld [tilespmem:s18+$0x2F0]  }
0x1e1: {  	v4 =	vadd.f32 v4, v6;
	v11 =	vadd.f32 v11, v13;
	v6 =	vld [tilespmem:s18+$0x320]  }
0x1e2: {  	v10 =	vadd.f32 v10, v12;
	v3 =	vadd.f32 v3, v5;
	v5 =	vld [tilespmem:s18+$0x330]  }
0x1e3: {  	v2 =	vadd.f32 v2, v4;
	v9 =	vadd.f32 v9, v11  }
0x1e4: {  	v4 =	vadd.f32 v8, v10;
	v1 =	vadd.f32 v1, v3  }
0x1e5: {  	v3 =	vadd.f32 v7, v9  }
.Ltmp3:
0x1e6: {  	v4 =	vadd.f32 v6, v4;
	v1 =	vmul.f32 $3.846153990e-02, v1;
	(pc) =	sbr.rel @p1 .LBB2_5-.Ltmp3, $4  }
0x1e7: {  	s20 =	sshra.s32 s20, $0x2;
	v2 =	vmul.f32 $3.846153990e-02, v2;
	v3 =	vadd.f32 v5, v3  }
0x1e8: {  	[tilespmem:v0+s20+$0xFFFFFFD0 ss:$0x1] =	vst.idx.msk $0xffff, v1;
	v4 =	vmul.f32 $3.846153990e-02, v4  }
0x1e9: {  	[tilespmem:v0+s20+$0xFFFFFFE0 ss:$0x1] =	vst.idx.msk $0xffff, v2;
	v1 =	vmul.f32 $3.846153990e-02, v3  }
0x1ea: {  	[tilespmem:v0+s20+$0xFFFFFFF0 ss:$0x1] =	vst.idx.msk $0xffff, v4  }
.Ltmp4:
0x1eb: {  	_ = 	snop;
	(pc) =	sbr.rel @p0 .LBB2_8-.Ltmp4, $2  }
0x1ec: {  	_ =	sdelay $0x2  }
0x1ed: {  	[tilespmem:v0+s20+$0x0 ss:$0x1] =	vst.idx.msk $0xffff, v1  }
0x1ee: {  	s18 =	smul.u32 $0xD00, s17  }
.Ltmp5:
0x1ef: {  	_ = 	snop;
	(pc) =	sbr.rel .LBB2_2-.Ltmp5, $4  }
0x1f0: {  	_ = 	snop  }
0x1f1: {  	s17 =	sadd.s32 $0x1, s17;
	s18 =	sshra.s32 s18, $0x2  }
0x1f2: {  	s15 =	sadd.s32 $0x800, s15;
	s16 =	sadd.s32 $0x800, s16;
	s18 =	sadd.s32 $0x4E0, s18  }
0x1f3: {  	[tilespmem:s10], [sflag:$0x2] =	stream.indirect.gather [hbm4b:s3+s8], $0x40, s18, s8, $0xb8;
	[tilespmem:$0x18400] =	vst v63  }
.LBB2_9:
0x1f4: {  	_ =	sfence.sel $0x180000  }
0x1f5: {  	[bflag:$0x0] =	sbarrier.arrive $0xFFFF  }
0x1f6: {  	p0 =	sne.s32 s1, $0x0;
	_ =	strace $0x90000047  }
0x1f7: {  	s0 =	sadd.s32 @!p0 $0x100000, s0;
	[bflag:$0x2] =	sbarrier.arrive $0xFFFF  }
0x1f8: {  	[sflag:s0] =	ssyncadd.tile.s32 @!p0 $0x1;
	_ =	shalt  }
.Lfunc_end2:
_tile_overlayer_lowered:
.L_overlay_start_2:
0x1f9: {  	(tag) =	ssettag $0x2  }
0x1fa: {  	s0 =	rddreg [dreg:$0x0];
	s2 =	stileid.u32  }
0x1fb: {  	s1 =	rddreg [dreg:$0x1];
	p0 =	sne.s32 s2, $0x0  }
0x1fc: {  	s3 =	rddreg [dreg:$0x2];
	[bflag:$0x3] =	sbarrier.arrive $0xFFFF;
	s2 =	simm.s32 @!p0 $0x1C03  }
0x1fd: {  	[timem:s3], [sflag:s2] =	dma.local @!p0 [hbm:s0], s1  }
0x1fe: {  	s0 =	simm.s32 @!p0 $0x3  }
0x1ff: {  	_ =	swait.ge @!p0 [sflag:s0], s1  }
0x200: {  	s1 =	ssub.s32 @!p0 $0x0, s1;
	[sflag:s0] =	ssyncset.done @!p0 $0x0  }
0x201: {  	[sflag:s0] =	ssyncadd.s32 @!p0 s1  }
0x202: {  	[bflag:$0x3] =	sbarrier.arrive $0xFFFF  }
0x203: {  	_ =	shalt  }

</sc_bundles>
